<compile_context>
chip_gen: v7x
topology: tpu7x:2x2x1
jax: 0.10.2.dev20260603
libtpu: 0.0.44.dev20260713+nightly
codegen_flags: <defaults>
</compile_context>

<pallas_src>
import functools

import jax
import jax.numpy as jnp
from jax import lax
from jax.experimental import pallas as pl
from jax.experimental.pallas import tpu as pltpu
from jax.experimental.pallas import tpu_sc as plsc

_N = 10000
_E = 160000
_D = 256
_H = 128
_NC = 2
_NS = 16
_NW = _NC * _NS
_EPW = 5120
_EP = _EPW * _NW
_CH = 256
_ECH = _EP // _NS // _CH
_NBUF = 5
_NPAD = _N + 8
_BM = 2000
_NB = _N // _BM
_BMP = 2048
_HISTW = (_NB - 1) * _BM + _BMP
_RPT = 624
_RTAIL = _N - _NS * _RPT


def _sc_degree(srcp):
    mesh = plsc.VectorSubcoreMesh(core_axis_name="c", subcore_axis_name="s", num_cores=_NC, num_subcores=_NS)

    @functools.partial(
        pl.kernel,
        out_type=jax.ShapeDtypeStruct((_NB * _NW * _BMP,), jnp.float32),
        mesh=mesh,
        scratch_types=[
            pltpu.VMEM((_EPW,), jnp.int32),
            pltpu.VMEM((_HISTW,), jnp.float32),
        ],
        compiler_params=pltpu.CompilerParams(needs_layout_passes=False),
    )
    def body(src_hbm, out_hbm, src_v, hist_v):
        c = lax.axis_index("c")
        s = lax.axis_index("s")
        wid = s * _NC + c
        pltpu.sync_copy(src_hbm.at[pl.ds(wid * _EPW, _EPW)], src_v)
        zeros = jnp.zeros((16,), jnp.float32)

        def zbody(k, carry):
            hist_v[pl.ds(k * 16, 16)] = zeros
            return carry

        lax.fori_loop(0, _HISTW // 16, zbody, 0)
        ones = jnp.ones((16,), jnp.float32)

        def hbody(k, carry):
            idx = src_v[pl.ds(k * 16, 16)]
            plsc.addupdate_scatter(hist_v, [idx], ones)
            return carry

        lax.fori_loop(0, _EPW // 16, hbody, 0)
        for b in range(_NB):
            pltpu.sync_copy(hist_v.at[pl.ds(b * _BM, _BMP)],
                            out_hbm.at[pl.ds((b * _NW + wid) * _BMP, _BMP)])

    return body(srcp)


def _tc_linear(x, W, dparts):
    bm = 2000
    grid = _N // bm

    def body(x_ref, w_ref, dp_ref, g_ref):
        h = lax.dot_general(
            x_ref[...], w_ref[...], (((1,), (1,)), ((), ())),
            preferred_element_type=jnp.float32)
        d = 1.0 + jnp.sum(dp_ref[:, :bm], axis=0)
        r = lax.rsqrt(d)
        g = (h * r[:, None]).astype(jnp.bfloat16)
        g_ref[0] = g[:, :_H]
        g_ref[1] = g[:, _H:]

    return pl.pallas_call(
        body,
        grid=(grid,),
        in_specs=[
            pl.BlockSpec((bm, _D), lambda i: (i, 0)),
            pl.BlockSpec((_D, _D), lambda i: (0, 0)),
            pl.BlockSpec((_NW, _BMP), lambda i: (i, 0)),
        ],
        out_specs=pl.BlockSpec((_NC, bm, _H), lambda i: (0, i, 0)),
        out_shape=jax.ShapeDtypeStruct((_NC, _N, _H), jnp.bfloat16),
    )(x, W, dparts)


def _sc_aggregate(gcat, src2, dstb):
    mesh = plsc.VectorSubcoreMesh(core_axis_name="c", subcore_axis_name="s", num_cores=_NC, num_subcores=_NS)

    @functools.partial(
        pl.kernel,
        out_type=jax.ShapeDtypeStruct((_NC, _N, _H), jnp.bfloat16),
        mesh=mesh,
        scratch_types=[
            pltpu.VMEM((_NBUF, _CH), jnp.int32),
            pltpu.VMEM((_NBUF, _CH), jnp.int32),
            [pltpu.VMEM((_CH, _H), jnp.bfloat16)] * _NBUF,
            pltpu.VMEM_SHARED((_NPAD, _H), jnp.bfloat16),
            [pltpu.SemaphoreType.DMA] * _NBUF,
            [pltpu.SemaphoreType.DMA] * _NBUF,
            [pltpu.SemaphoreType.DMA] * _NBUF,
            [pltpu.SemaphoreType.DMA] * _NBUF,
        ],
        compiler_params=pltpu.CompilerParams(needs_layout_passes=False, use_tc_tiling_on_sc=False),
    )
    def body(g_hbm, src_hbm, dst_hbm, out_hbm, srcr, dstr, rows, acc,
             gsem, ssem, isrc, idst):
        c = lax.axis_index("c")
        s = lax.axis_index("s")
        rowbase = s * _ECH
        pltpu.sync_copy(g_hbm.at[pl.ds(c * _N + s * _RPT, _RPT)],
                        acc.at[pl.ds(s * _RPT, _RPT)])

        @pl.when(s == _NS - 1)
        def _():
            pltpu.sync_copy(g_hbm.at[pl.ds(c * _N + _NS * _RPT, _RTAIL)],
                            acc.at[pl.ds(_NS * _RPT, _RTAIL)])

        plsc.subcore_barrier()

        for b in range(_NBUF):
            pltpu.async_copy(src_hbm.at[rowbase + b], srcr.at[b], isrc[b])
            pltpu.async_copy(dst_hbm.at[c, rowbase + b], dstr.at[b], idst[b])
        for b in range(_NBUF):
            pltpu.make_async_copy(dst_hbm.at[c, rowbase + b], dstr.at[b],
                                  idst[b]).wait()
            pltpu.async_copy(g_hbm.at[dstr.at[b]], rows[b], gsem[b])

        def ebody(k, carry):
            for b in range(_NBUF):
                j = k * _NBUF + b

                @pl.when(j < _ECH)
                def _():
                    pltpu.make_async_copy(g_hbm.at[dstr.at[b]], rows[b],
                                          gsem[b]).wait()
                    pltpu.make_async_copy(src_hbm.at[rowbase + j], srcr.at[b],
                                          isrc[b]).wait()
                    pltpu.async_copy(rows[b], acc.at[srcr.at[b]], ssem[b],
                                     add=True)

                @pl.when(j + _NBUF < _ECH)
                def _():
                    pltpu.async_copy(dst_hbm.at[c, rowbase + j + _NBUF],
                                     dstr.at[b], idst[b])

            for b in range(_NBUF):
                j = k * _NBUF + b

                @pl.when(j < _ECH)
                def _():
                    pltpu.make_async_copy(rows[b], acc.at[srcr.at[b]],
                                          ssem[b]).wait()

                @pl.when(j + _NBUF < _ECH)
                def _():
                    pltpu.async_copy(src_hbm.at[rowbase + j + _NBUF],
                                     srcr.at[b], isrc[b])
                    pltpu.make_async_copy(dst_hbm.at[c, rowbase + j + _NBUF],
                                          dstr.at[b], idst[b]).wait()
                    pltpu.async_copy(g_hbm.at[dstr.at[b]], rows[b], gsem[b])

            return carry

        lax.fori_loop(0, (_ECH + _NBUF - 1) // _NBUF, ebody, 0)
        plsc.subcore_barrier()
        pltpu.sync_copy(acc.at[pl.ds(s * _RPT, _RPT)],
                        out_hbm.at[c, pl.ds(s * _RPT, _RPT)])

        @pl.when(s == _NS - 1)
        def _():
            pltpu.sync_copy(acc.at[pl.ds(_NS * _RPT, _RTAIL)],
                            out_hbm.at[c, pl.ds(_NS * _RPT, _RTAIL)])

    return body(gcat, src2, dstb)


def _tc_finish(pre, dparts):
    bm = 2000
    grid = _N // bm

    def body(p_ref, dp_ref, o_ref):
        d = 1.0 + jnp.sum(dp_ref[:, :bm], axis=0)
        r = lax.rsqrt(d)[:, None]
        o_ref[:, :_H] = p_ref[0].astype(jnp.float32) * r
        o_ref[:, _H:] = p_ref[1].astype(jnp.float32) * r

    return pl.pallas_call(
        body,
        grid=(grid,),
        in_specs=[
            pl.BlockSpec((_NC, bm, _H), lambda i: (0, i, 0)),
            pl.BlockSpec((_NW, _BMP), lambda i: (i, 0)),
        ],
        out_specs=pl.BlockSpec((bm, _D), lambda i: (i, 0)),
        out_shape=jax.ShapeDtypeStruct((_N, _D), jnp.float32),
    )(pre, dparts)


def kernel(x, edge_index, W):
    src = edge_index[0]
    dst = edge_index[1]
    pad = _EP - _E
    srcp = jnp.concatenate([src, jnp.full((pad,), _N, jnp.int32)])
    dstp = jnp.concatenate([dst, jnp.zeros((pad,), jnp.int32)])
    dstb = jnp.stack([dstp, dstp + _N]).reshape(_NC, _EP // _CH, _CH)
    src2 = srcp.reshape(_EP // _CH, _CH)
    dparts = _sc_degree(srcp).reshape(_NB * _NW, _BMP)
    gcat = _tc_linear(x, W, dparts)
    pre = _sc_aggregate(gcat.reshape(_NC * _N, _H), src2, dstb)
    return _tc_finish(pre, dparts)

# --- scband reference (transcript-rebuilt; emitter-appended) ---
"""Pipeline reference for scband-vanilla-gnnlayer-2336462209629 (READ-ONLY COPY).

The authoritative reference and input builder live on the scoring server;
editing this copy changes nothing except your own understanding.
"""

import jax, jax.numpy as jnp
import numpy as np

N = 10000
E = 160000
D_IN = 256
D_OUT = 256


def setup_inputs(seed: int = 0) -> dict:
    key = jax.random.key(seed)
    k1, k2, k3 = jax.random.split(key, 3)
    x = jax.random.normal(k1, (N, D_IN), dtype=jnp.float32)
    edge_index = jax.random.randint(k2, (2, E), 0, N, dtype=jnp.int32)
    # Linear(dim_in, dim_out, bias=False) weight: [dim_out, dim_in]
    W = jax.random.normal(k3, (D_OUT, D_IN), dtype=jnp.float32) * (1.0 / np.sqrt(D_IN))
    return {"x": x, "edge_index": edge_index, "W": W}


def reference(x, edge_index, W):
    n = x.shape[0]
    # x = self.W(x)  (Linear, no bias)
    h = x @ W.T
    # add_self_loops(edge_index, None)
    loops = jnp.arange(n, dtype=edge_index.dtype)
    ei = jnp.concatenate([edge_index, jnp.stack([loops, loops], axis=0)], axis=1)
    src = ei[0]
    dst = ei[1]
    # x_j = x[edge_index[1]]  (edge_weight is None)
    x_j = h[dst]
    # d = scatter_sum(ones, index=edge_index[0])
    d = jax.ops.segment_sum(jnp.ones(ei.shape[1], dtype=h.dtype), src, num_segments=n)
    d_i = d[src]
    d_j = d[dst]
    d_i = jnp.where(d_i == 0, 1e-10, d_i)
    d_j = jnp.where(d_j == 0, 1e-10, d_j)
    w = (1.0 / jnp.sqrt(d_i * d_j))[:, None]
    # h_prime = scatter_sum(x_j * w, index=edge_index[0])
    h_prime = jax.ops.segment_sum(x_j * w, src, num_segments=n)
    return h_prime

if __name__ == "__main__":
    import jax
    _d = setup_inputs()
    print(jax.jit(kernel)(*tuple(_d.values())))

</pallas_src>

<mosaic_0001>
#map = affine_map<(d0, d1) -> (0, 0)>
#map1 = affine_map<(d0, d1) -> (0, 0, 0)>
module attributes {stable_mosaic.version = 14 : i64} {
  func.func @body(%arg0: i32, %arg1: i32, %arg2: memref<20000x128xbf16, #tpu.memory_space<hbm>>, %arg3: memref<640x256xi32, #tpu.memory_space<hbm>>, %arg4: memref<2x640x256xi32, #tpu.memory_space<hbm>>, %arg5: memref<2x10000x128xbf16, #tpu.memory_space<hbm>>, %arg6: memref<5x256xi32, #tpu.memory_space<vmem>>, %arg7: memref<5x256xi32, #tpu.memory_space<vmem>>, %arg8: memref<256x128xbf16, #tpu.memory_space<vmem>>, %arg9: memref<256x128xbf16, #tpu.memory_space<vmem>>, %arg10: memref<256x128xbf16, #tpu.memory_space<vmem>>, %arg11: memref<256x128xbf16, #tpu.memory_space<vmem>>, %arg12: memref<256x128xbf16, #tpu.memory_space<vmem>>, %arg13: memref<10008x128xbf16, #tpu.memory_space<vmem_shared>>, %arg14: memref<!tpu.dma_semaphore, #tpu.memory_space<semaphore_mem>>, %arg15: memref<!tpu.dma_semaphore, #tpu.memory_space<semaphore_mem>>, %arg16: memref<!tpu.dma_semaphore, #tpu.memory_space<semaphore_mem>>, %arg17: memref<!tpu.dma_semaphore, #tpu.memory_space<semaphore_mem>>, %arg18: memref<!tpu.dma_semaphore, #tpu.memory_space<semaphore_mem>>, %arg19: memref<!tpu.dma_semaphore, #tpu.memory_space<semaphore_mem>>, %arg20: memref<!tpu.dma_semaphore, #tpu.memory_space<semaphore_mem>>, %arg21: memref<!tpu.dma_semaphore, #tpu.memory_space<semaphore_mem>>, %arg22: memref<!tpu.dma_semaphore, #tpu.memory_space<semaphore_mem>>, %arg23: memref<!tpu.dma_semaphore, #tpu.memory_space<semaphore_mem>>, %arg24: memref<!tpu.dma_semaphore, #tpu.memory_space<semaphore_mem>>, %arg25: memref<!tpu.dma_semaphore, #tpu.memory_space<semaphore_mem>>, %arg26: memref<!tpu.dma_semaphore, #tpu.memory_space<semaphore_mem>>, %arg27: memref<!tpu.dma_semaphore, #tpu.memory_space<semaphore_mem>>, %arg28: memref<!tpu.dma_semaphore, #tpu.memory_space<semaphore_mem>>, %arg29: memref<!tpu.dma_semaphore, #tpu.memory_space<semaphore_mem>>, %arg30: memref<!tpu.dma_semaphore, #tpu.memory_space<semaphore_mem>>, %arg31: memref<!tpu.dma_semaphore, #tpu.memory_space<semaphore_mem>>, %arg32: memref<!tpu.dma_semaphore, #tpu.memory_space<semaphore_mem>>, %arg33: memref<!tpu.dma_semaphore, #tpu.memory_space<semaphore_mem>>) attributes {dimension_semantics = [#tpu.dimension_semantics<core_parallel>, #tpu.dimension_semantics<subcore_parallel>], iteration_bounds = array<i64: 2, 16>, scalar_prefetch = 0 : i64, scratch_operands = 28 : i64, tpu.core_type = #tpu.core_type<sc_vector_subcore>, window_params = [{transform_indices = #map}, {transform_indices = #map}, {transform_indices = #map1}, {transform_indices = #map1}]} {
    %mul3A = arith.constant 40 : i32
    %mul3A_0 = arith.muli %arg1, %mul3A : i32
    %mul3A_1 = arith.constant 10000 : i32
    %mul3A_2 = arith.muli %arg0, %mul3A_1 : i32
    %mul3A_3 = arith.constant 624 : i32
    %mul3A_4 = arith.muli %arg1, %mul3A_3 : i32
    %add3A = arith.addi %mul3A_2, %mul3A_4 : i32
    %mul3A_5 = arith.constant 624 : i32
    %mul3A_6 = arith.muli %arg1, %mul3A_5 : i32
    "tpu.region"() ({
      %run_scoped3A = tpu.sem_alloc : memref<!tpu.dma_semaphore, #tpu.memory_space<semaphore_mem>>
      %dma_start3A_282 = arith.constant 0 : i32
      %dma_start3A_283 = tpu.memref_slice %arg13[%mul3A_6, %dma_start3A_282] : memref<10008x128xbf16, #tpu.memory_space<vmem_shared>> -> memref<624x128xbf16, #tpu.memory_space<vmem_shared>>
      %dma_start3A_284 = arith.constant 0 : i32
      %dma_start3A_285 = tpu.memref_slice %arg2[%add3A, %dma_start3A_284] : memref<20000x128xbf16, #tpu.memory_space<hbm>> -> memref<624x128xbf16, #tpu.memory_space<hbm>>
      tpu.enqueue_dma source(%dma_start3A_285 : memref<624x128xbf16, #tpu.memory_space<hbm>>) target(%dma_start3A_283 : memref<624x128xbf16, #tpu.memory_space<vmem_shared>>) target_semaphore(%run_scoped3A : memref<!tpu.dma_semaphore, #tpu.memory_space<semaphore_mem>>)
      %dma_wait3A_286 = arith.constant 0 : i32
      %dma_wait3A_287 = tpu.memref_slice %arg13[%mul3A_6, %dma_wait3A_286] : memref<10008x128xbf16, #tpu.memory_space<vmem_shared>> -> memref<624x128xbf16, #tpu.memory_space<vmem_shared>>
      %dma_wait3A_288 = arith.constant 0 : i32
      %dma_wait3A_289 = tpu.memref_slice %arg2[%add3A, %dma_wait3A_288] : memref<20000x128xbf16, #tpu.memory_space<hbm>> -> memref<624x128xbf16, #tpu.memory_space<hbm>>
      tpu.wait_dma2 semaphore(%run_scoped3A : memref<!tpu.dma_semaphore, #tpu.memory_space<semaphore_mem>>) src(%dma_wait3A_289 : memref<624x128xbf16, #tpu.memory_space<hbm>>) dst(%dma_wait3A_287 : memref<624x128xbf16, #tpu.memory_space<vmem_shared>>)
      tpu.yield
    }) : () -> ()
    %eq3A = arith.constant 15 : i32
    %eq3A_7 = arith.cmpi eq, %arg1, %eq3A : i32
    %convert_element_type3A = arith.extui %eq3A_7 : i1 to i32
    %cond3A = arith.constant 0 : i32
    %cond3A_8 = arith.cmpi ne, %convert_element_type3A, %cond3A : i32
    scf.if %cond3A_8 {
      %mul3A_282 = arith.constant 10000 : i32
      %mul3A_283 = arith.muli %arg0, %mul3A_282 : i32
      %add3A_284 = arith.constant 9984 : i32
      %add3A_285 = arith.addi %mul3A_283, %add3A_284 : i32
      "tpu.region"() ({
        %run_scoped3A = tpu.sem_alloc : memref<!tpu.dma_semaphore, #tpu.memory_space<semaphore_mem>>
        %dma_start3A_286 = arith.constant 9984 : i32
        %dma_start3A_287 = arith.constant 0 : i32
        %dma_start3A_288 = tpu.memref_slice %arg13[%dma_start3A_286, %dma_start3A_287] : memref<10008x128xbf16, #tpu.memory_space<vmem_shared>> -> memref<16x128xbf16, #tpu.memory_space<vmem_shared>>
        %dma_start3A_289 = arith.constant 0 : i32
        %dma_start3A_290 = tpu.memref_slice %arg2[%add3A_285, %dma_start3A_289] : memref<20000x128xbf16, #tpu.memory_space<hbm>> -> memref<16x128xbf16, #tpu.memory_space<hbm>>
        tpu.enqueue_dma source(%dma_start3A_290 : memref<16x128xbf16, #tpu.memory_space<hbm>>) target(%dma_start3A_288 : memref<16x128xbf16, #tpu.memory_space<vmem_shared>>) target_semaphore(%run_scoped3A : memref<!tpu.dma_semaphore, #tpu.memory_space<semaphore_mem>>)
        %dma_wait3A_291 = arith.constant 9984 : i32
        %dma_wait3A_292 = arith.constant 0 : i32
        %dma_wait3A_293 = tpu.memref_slice %arg13[%dma_wait3A_291, %dma_wait3A_292] : memref<10008x128xbf16, #tpu.memory_space<vmem_shared>> -> memref<16x128xbf16, #tpu.memory_space<vmem_shared>>
        %dma_wait3A_294 = arith.constant 0 : i32
        %dma_wait3A_295 = tpu.memref_slice %arg2[%add3A_285, %dma_wait3A_294] : memref<20000x128xbf16, #tpu.memory_space<hbm>> -> memref<16x128xbf16, #tpu.memory_space<hbm>>
        tpu.wait_dma2 semaphore(%run_scoped3A : memref<!tpu.dma_semaphore, #tpu.memory_space<semaphore_mem>>) src(%dma_wait3A_295 : memref<16x128xbf16, #tpu.memory_space<hbm>>) dst(%dma_wait3A_293 : memref<16x128xbf16, #tpu.memory_space<vmem_shared>>)
        tpu.yield
      }) : () -> ()
    } else {
    }
    %barrier3A = arith.constant 0 : index
    tpu.barrier barrier_id(%barrier3A)
    %add3A_9 = arith.constant 0 : i32
    %add3A_10 = arith.addi %mul3A_0, %add3A_9 : i32
    %dma_start3A = arith.constant 0 : i32
    %dma_start3A_11 = arith.constant 0 : i32
    %dma_start3A_12 = tpu.memref_slice %arg6[%dma_start3A, %dma_start3A_11] : memref<5x256xi32, #tpu.memory_space<vmem>> -> memref<1x256xi32, #tpu.memory_space<vmem>>
    %dma_start3A_13 = tpu.memref_squeeze %dma_start3A_12 : memref<1x256xi32, #tpu.memory_space<vmem>> -> memref<256xi32, #tpu.memory_space<vmem>>
    %dma_start3A_14 = arith.constant 0 : i32
    %dma_start3A_15 = tpu.memref_slice %arg3[%add3A_10, %dma_start3A_14] : memref<640x256xi32, #tpu.memory_space<hbm>> -> memref<1x256xi32, #tpu.memory_space<hbm>>
    %dma_start3A_16 = tpu.memref_squeeze %dma_start3A_15 : memref<1x256xi32, #tpu.memory_space<hbm>> -> memref<256xi32, #tpu.memory_space<hbm>>
    %dma_start3A_17 = arith.constant 0 : i32
    %dma_start3A_18 = tpu.memref_slice %arg6[%dma_start3A, %dma_start3A_17] : memref<5x256xi32, #tpu.memory_space<vmem>> -> memref<1x256xi32, #tpu.memory_space<vmem>>
    %dma_start3A_19 = tpu.memref_squeeze %dma_start3A_18 : memref<1x256xi32, #tpu.memory_space<vmem>> -> memref<256xi32, #tpu.memory_space<vmem>>
    %dma_start3A_20 = arith.constant 0 : i32
    %dma_start3A_21 = tpu.memref_slice %arg3[%add3A_10, %dma_start3A_20] : memref<640x256xi32, #tpu.memory_space<hbm>> -> memref<1x256xi32, #tpu.memory_space<hbm>>
    %dma_start3A_22 = tpu.memref_squeeze %dma_start3A_21 : memref<1x256xi32, #tpu.memory_space<hbm>> -> memref<256xi32, #tpu.memory_space<hbm>>
    tpu.enqueue_dma source(%dma_start3A_22 : memref<256xi32, #tpu.memory_space<hbm>>) target(%dma_start3A_19 : memref<256xi32, #tpu.memory_space<vmem>>) target_semaphore(%arg24 : memref<!tpu.dma_semaphore, #tpu.memory_space<semaphore_mem>>)
    %add3A_23 = arith.constant 0 : i32
    %add3A_24 = arith.addi %mul3A_0, %add3A_23 : i32
    %dma_start3A_25 = arith.constant 0 : i32
    %dma_start3A_26 = arith.constant 0 : i32
    %dma_start3A_27 = tpu.memref_slice %arg7[%dma_start3A_25, %dma_start3A_26] : memref<5x256xi32, #tpu.memory_space<vmem>> -> memref<1x256xi32, #tpu.memory_space<vmem>>
    %dma_start3A_28 = tpu.memref_squeeze %dma_start3A_27 : memref<1x256xi32, #tpu.memory_space<vmem>> -> memref<256xi32, #tpu.memory_space<vmem>>
    %dma_start3A_29 = arith.constant 0 : i32
    %dma_start3A_30 = tpu.memref_slice %arg4[%arg0, %add3A_24, %dma_start3A_29] : memref<2x640x256xi32, #tpu.memory_space<hbm>> -> memref<1x1x256xi32, #tpu.memory_space<hbm>>
    %dma_start3A_31 = tpu.memref_squeeze %dma_start3A_30 : memref<1x1x256xi32, #tpu.memory_space<hbm>> -> memref<256xi32, #tpu.memory_space<hbm>>
    %dma_start3A_32 = arith.constant 0 : i32
    %dma_start3A_33 = tpu.memref_slice %arg7[%dma_start3A_25, %dma_start3A_32] : memref<5x256xi32, #tpu.memory_space<vmem>> -> memref<1x256xi32, #tpu.memory_space<vmem>>
    %dma_start3A_34 = tpu.memref_squeeze %dma_start3A_33 : memref<1x256xi32, #tpu.memory_space<vmem>> -> memref<256xi32, #tpu.memory_space<vmem>>
    %dma_start3A_35 = arith.constant 0 : i32
    %dma_start3A_36 = tpu.memref_slice %arg4[%arg0, %add3A_24, %dma_start3A_35] : memref<2x640x256xi32, #tpu.memory_space<hbm>> -> memref<1x1x256xi32, #tpu.memory_space<hbm>>
    %dma_start3A_37 = tpu.memref_squeeze %dma_start3A_36 : memref<1x1x256xi32, #tpu.memory_space<hbm>> -> memref<256xi32, #tpu.memory_space<hbm>>
    tpu.enqueue_dma source(%dma_start3A_37 : memref<256xi32, #tpu.memory_space<hbm>>) target(%dma_start3A_34 : memref<256xi32, #tpu.memory_space<vmem>>) target_semaphore(%arg29 : memref<!tpu.dma_semaphore, #tpu.memory_space<semaphore_mem>>)
    %add3A_38 = arith.constant 1 : i32
    %add3A_39 = arith.addi %mul3A_0, %add3A_38 : i32
    %dma_start3A_40 = arith.constant 1 : i32
    %dma_start3A_41 = arith.constant 0 : i32
    %dma_start3A_42 = tpu.memref_slice %arg6[%dma_start3A_40, %dma_start3A_41] : memref<5x256xi32, #tpu.memory_space<vmem>> -> memref<1x256xi32, #tpu.memory_space<vmem>>
    %dma_start3A_43 = tpu.memref_squeeze %dma_start3A_42 : memref<1x256xi32, #tpu.memory_space<vmem>> -> memref<256xi32, #tpu.memory_space<vmem>>
    %dma_start3A_44 = arith.constant 0 : i32
    %dma_start3A_45 = tpu.memref_slice %arg3[%add3A_39, %dma_start3A_44] : memref<640x256xi32, #tpu.memory_space<hbm>> -> memref<1x256xi32, #tpu.memory_space<hbm>>
    %dma_start3A_46 = tpu.memref_squeeze %dma_start3A_45 : memref<1x256xi32, #tpu.memory_space<hbm>> -> memref<256xi32, #tpu.memory_space<hbm>>
    %dma_start3A_47 = arith.constant 0 : i32
    %dma_start3A_48 = tpu.memref_slice %arg6[%dma_start3A_40, %dma_start3A_47] : memref<5x256xi32, #tpu.memory_space<vmem>> -> memref<1x256xi32, #tpu.memory_space<vmem>>
    %dma_start3A_49 = tpu.memref_squeeze %dma_start3A_48 : memref<1x256xi32, #tpu.memory_space<vmem>> -> memref<256xi32, #tpu.memory_space<vmem>>
    %dma_start3A_50 = arith.constant 0 : i32
    %dma_start3A_51 = tpu.memref_slice %arg3[%add3A_39, %dma_start3A_50] : memref<640x256xi32, #tpu.memory_space<hbm>> -> memref<1x256xi32, #tpu.memory_space<hbm>>
    %dma_start3A_52 = tpu.memref_squeeze %dma_start3A_51 : memref<1x256xi32, #tpu.memory_space<hbm>> -> memref<256xi32, #tpu.memory_space<hbm>>
    tpu.enqueue_dma source(%dma_start3A_52 : memref<256xi32, #tpu.memory_space<hbm>>) target(%dma_start3A_49 : memref<256xi32, #tpu.memory_space<vmem>>) target_semaphore(%arg25 : memref<!tpu.dma_semaphore, #tpu.memory_space<semaphore_mem>>)
    %add3A_53 = arith.constant 1 : i32
    %add3A_54 = arith.addi %mul3A_0, %add3A_53 : i32
    %dma_start3A_55 = arith.constant 1 : i32
    %dma_start3A_56 = arith.constant 0 : i32
    %dma_start3A_57 = tpu.memref_slice %arg7[%dma_start3A_55, %dma_start3A_56] : memref<5x256xi32, #tpu.memory_space<vmem>> -> memref<1x256xi32, #tpu.memory_space<vmem>>
    %dma_start3A_58 = tpu.memref_squeeze %dma_start3A_57 : memref<1x256xi32, #tpu.memory_space<vmem>> -> memref<256xi32, #tpu.memory_space<vmem>>
    %dma_start3A_59 = arith.constant 0 : i32
    %dma_start3A_60 = tpu.memref_slice %arg4[%arg0, %add3A_54, %dma_start3A_59] : memref<2x640x256xi32, #tpu.memory_space<hbm>> -> memref<1x1x256xi32, #tpu.memory_space<hbm>>
    %dma_start3A_61 = tpu.memref_squeeze %dma_start3A_60 : memref<1x1x256xi32, #tpu.memory_space<hbm>> -> memref<256xi32, #tpu.memory_space<hbm>>
    %dma_start3A_62 = arith.constant 0 : i32
    %dma_start3A_63 = tpu.memref_slice %arg7[%dma_start3A_55, %dma_start3A_62] : memref<5x256xi32, #tpu.memory_space<vmem>> -> memref<1x256xi32, #tpu.memory_space<vmem>>
    %dma_start3A_64 = tpu.memref_squeeze %dma_start3A_63 : memref<1x256xi32, #tpu.memory_space<vmem>> -> memref<256xi32, #tpu.memory_space<vmem>>
    %dma_start3A_65 = arith.constant 0 : i32
    %dma_start3A_66 = tpu.memref_slice %arg4[%arg0, %add3A_54, %dma_start3A_65] : memref<2x640x256xi32, #tpu.memory_space<hbm>> -> memref<1x1x256xi32, #tpu.memory_space<hbm>>
    %dma_start3A_67 = tpu.memref_squeeze %dma_start3A_66 : memref<1x1x256xi32, #tpu.memory_space<hbm>> -> memref<256xi32, #tpu.memory_space<hbm>>
    tpu.enqueue_dma source(%dma_start3A_67 : memref<256xi32, #tpu.memory_space<hbm>>) target(%dma_start3A_64 : memref<256xi32, #tpu.memory_space<vmem>>) target_semaphore(%arg30 : memref<!tpu.dma_semaphore, #tpu.memory_space<semaphore_mem>>)
    %add3A_68 = arith.constant 2 : i32
    %add3A_69 = arith.addi %mul3A_0, %add3A_68 : i32
    %dma_start3A_70 = arith.constant 2 : i32
    %dma_start3A_71 = arith.constant 0 : i32
    %dma_start3A_72 = tpu.memref_slice %arg6[%dma_start3A_70, %dma_start3A_71] : memref<5x256xi32, #tpu.memory_space<vmem>> -> memref<1x256xi32, #tpu.memory_space<vmem>>
    %dma_start3A_73 = tpu.memref_squeeze %dma_start3A_72 : memref<1x256xi32, #tpu.memory_space<vmem>> -> memref<256xi32, #tpu.memory_space<vmem>>
    %dma_start3A_74 = arith.constant 0 : i32
    %dma_start3A_75 = tpu.memref_slice %arg3[%add3A_69, %dma_start3A_74] : memref<640x256xi32, #tpu.memory_space<hbm>> -> memref<1x256xi32, #tpu.memory_space<hbm>>
    %dma_start3A_76 = tpu.memref_squeeze %dma_start3A_75 : memref<1x256xi32, #tpu.memory_space<hbm>> -> memref<256xi32, #tpu.memory_space<hbm>>
    %dma_start3A_77 = arith.constant 0 : i32
    %dma_start3A_78 = tpu.memref_slice %arg6[%dma_start3A_70, %dma_start3A_77] : memref<5x256xi32, #tpu.memory_space<vmem>> -> memref<1x256xi32, #tpu.memory_space<vmem>>
    %dma_start3A_79 = tpu.memref_squeeze %dma_start3A_78 : memref<1x256xi32, #tpu.memory_space<vmem>> -> memref<256xi32, #tpu.memory_space<vmem>>
    %dma_start3A_80 = arith.constant 0 : i32
    %dma_start3A_81 = tpu.memref_slice %arg3[%add3A_69, %dma_start3A_80] : memref<640x256xi32, #tpu.memory_space<hbm>> -> memref<1x256xi32, #tpu.memory_space<hbm>>
    %dma_start3A_82 = tpu.memref_squeeze %dma_start3A_81 : memref<1x256xi32, #tpu.memory_space<hbm>> -> memref<256xi32, #tpu.memory_space<hbm>>
    tpu.enqueue_dma source(%dma_start3A_82 : memref<256xi32, #tpu.memory_space<hbm>>) target(%dma_start3A_79 : memref<256xi32, #tpu.memory_space<vmem>>) target_semaphore(%arg26 : memref<!tpu.dma_semaphore, #tpu.memory_space<semaphore_mem>>)
    %add3A_83 = arith.constant 2 : i32
    %add3A_84 = arith.addi %mul3A_0, %add3A_83 : i32
    %dma_start3A_85 = arith.constant 2 : i32
    %dma_start3A_86 = arith.constant 0 : i32
    %dma_start3A_87 = tpu.memref_slice %arg7[%dma_start3A_85, %dma_start3A_86] : memref<5x256xi32, #tpu.memory_space<vmem>> -> memref<1x256xi32, #tpu.memory_space<vmem>>
    %dma_start3A_88 = tpu.memref_squeeze %dma_start3A_87 : memref<1x256xi32, #tpu.memory_space<vmem>> -> memref<256xi32, #tpu.memory_space<vmem>>
    %dma_start3A_89 = arith.constant 0 : i32
    %dma_start3A_90 = tpu.memref_slice %arg4[%arg0, %add3A_84, %dma_start3A_89] : memref<2x640x256xi32, #tpu.memory_space<hbm>> -> memref<1x1x256xi32, #tpu.memory_space<hbm>>
    %dma_start3A_91 = tpu.memref_squeeze %dma_start3A_90 : memref<1x1x256xi32, #tpu.memory_space<hbm>> -> memref<256xi32, #tpu.memory_space<hbm>>
    %dma_start3A_92 = arith.constant 0 : i32
    %dma_start3A_93 = tpu.memref_slice %arg7[%dma_start3A_85, %dma_start3A_92] : memref<5x256xi32, #tpu.memory_space<vmem>> -> memref<1x256xi32, #tpu.memory_space<vmem>>
    %dma_start3A_94 = tpu.memref_squeeze %dma_start3A_93 : memref<1x256xi32, #tpu.memory_space<vmem>> -> memref<256xi32, #tpu.memory_space<vmem>>
    %dma_start3A_95 = arith.constant 0 : i32
    %dma_start3A_96 = tpu.memref_slice %arg4[%arg0, %add3A_84, %dma_start3A_95] : memref<2x640x256xi32, #tpu.memory_space<hbm>> -> memref<1x1x256xi32, #tpu.memory_space<hbm>>
    %dma_start3A_97 = tpu.memref_squeeze %dma_start3A_96 : memref<1x1x256xi32, #tpu.memory_space<hbm>> -> memref<256xi32, #tpu.memory_space<hbm>>
    tpu.enqueue_dma source(%dma_start3A_97 : memref<256xi32, #tpu.memory_space<hbm>>) target(%dma_start3A_94 : memref<256xi32, #tpu.memory_space<vmem>>) target_semaphore(%arg31 : memref<!tpu.dma_semaphore, #tpu.memory_space<semaphore_mem>>)
    %add3A_98 = arith.constant 3 : i32
    %add3A_99 = arith.addi %mul3A_0, %add3A_98 : i32
    %dma_start3A_100 = arith.constant 3 : i32
    %dma_start3A_101 = arith.constant 0 : i32
    %dma_start3A_102 = tpu.memref_slice %arg6[%dma_start3A_100, %dma_start3A_101] : memref<5x256xi32, #tpu.memory_space<vmem>> -> memref<1x256xi32, #tpu.memory_space<vmem>>
    %dma_start3A_103 = tpu.memref_squeeze %dma_start3A_102 : memref<1x256xi32, #tpu.memory_space<vmem>> -> memref<256xi32, #tpu.memory_space<vmem>>
    %dma_start3A_104 = arith.constant 0 : i32
    %dma_start3A_105 = tpu.memref_slice %arg3[%add3A_99, %dma_start3A_104] : memref<640x256xi32, #tpu.memory_space<hbm>> -> memref<1x256xi32, #tpu.memory_space<hbm>>
    %dma_start3A_106 = tpu.memref_squeeze %dma_start3A_105 : memref<1x256xi32, #tpu.memory_space<hbm>> -> memref<256xi32, #tpu.memory_space<hbm>>
    %dma_start3A_107 = arith.constant 0 : i32
    %dma_start3A_108 = tpu.memref_slice %arg6[%dma_start3A_100, %dma_start3A_107] : memref<5x256xi32, #tpu.memory_space<vmem>> -> memref<1x256xi32, #tpu.memory_space<vmem>>
    %dma_start3A_109 = tpu.memref_squeeze %dma_start3A_108 : memref<1x256xi32, #tpu.memory_space<vmem>> -> memref<256xi32, #tpu.memory_space<vmem>>
    %dma_start3A_110 = arith.constant 0 : i32
    %dma_start3A_111 = tpu.memref_slice %arg3[%add3A_99, %dma_start3A_110] : memref<640x256xi32, #tpu.memory_space<hbm>> -> memref<1x256xi32, #tpu.memory_space<hbm>>
    %dma_start3A_112 = tpu.memref_squeeze %dma_start3A_111 : memref<1x256xi32, #tpu.memory_space<hbm>> -> memref<256xi32, #tpu.memory_space<hbm>>
    tpu.enqueue_dma source(%dma_start3A_112 : memref<256xi32, #tpu.memory_space<hbm>>) target(%dma_start3A_109 : memref<256xi32, #tpu.memory_space<vmem>>) target_semaphore(%arg27 : memref<!tpu.dma_semaphore, #tpu.memory_space<semaphore_mem>>)
    %add3A_113 = arith.constant 3 : i32
    %add3A_114 = arith.addi %mul3A_0, %add3A_113 : i32
    %dma_start3A_115 = arith.constant 3 : i32
    %dma_start3A_116 = arith.constant 0 : i32
    %dma_start3A_117 = tpu.memref_slice %arg7[%dma_start3A_115, %dma_start3A_116] : memref<5x256xi32, #tpu.memory_space<vmem>> -> memref<1x256xi32, #tpu.memory_space<vmem>>
    %dma_start3A_118 = tpu.memref_squeeze %dma_start3A_117 : memref<1x256xi32, #tpu.memory_space<vmem>> -> memref<256xi32, #tpu.memory_space<vmem>>
    %dma_start3A_119 = arith.constant 0 : i32
    %dma_start3A_120 = tpu.memref_slice %arg4[%arg0, %add3A_114, %dma_start3A_119] : memref<2x640x256xi32, #tpu.memory_space<hbm>> -> memref<1x1x256xi32, #tpu.memory_space<hbm>>
    %dma_start3A_121 = tpu.memref_squeeze %dma_start3A_120 : memref<1x1x256xi32, #tpu.memory_space<hbm>> -> memref<256xi32, #tpu.memory_space<hbm>>
    %dma_start3A_122 = arith.constant 0 : i32
    %dma_start3A_123 = tpu.memref_slice %arg7[%dma_start3A_115, %dma_start3A_122] : memref<5x256xi32, #tpu.memory_space<vmem>> -> memref<1x256xi32, #tpu.memory_space<vmem>>
    %dma_start3A_124 = tpu.memref_squeeze %dma_start3A_123 : memref<1x256xi32, #tpu.memory_space<vmem>> -> memref<256xi32, #tpu.memory_space<vmem>>
    %dma_start3A_125 = arith.constant 0 : i32
    %dma_start3A_126 = tpu.memref_slice %arg4[%arg0, %add3A_114, %dma_start3A_125] : memref<2x640x256xi32, #tpu.memory_space<hbm>> -> memref<1x1x256xi32, #tpu.memory_space<hbm>>
    %dma_start3A_127 = tpu.memref_squeeze %dma_start3A_126 : memref<1x1x256xi32, #tpu.memory_space<hbm>> -> memref<256xi32, #tpu.memory_space<hbm>>
    tpu.enqueue_dma source(%dma_start3A_127 : memref<256xi32, #tpu.memory_space<hbm>>) target(%dma_start3A_124 : memref<256xi32, #tpu.memory_space<vmem>>) target_semaphore(%arg32 : memref<!tpu.dma_semaphore, #tpu.memory_space<semaphore_mem>>)
    %add3A_128 = arith.constant 4 : i32
    %add3A_129 = arith.addi %mul3A_0, %add3A_128 : i32
    %dma_start3A_130 = arith.constant 4 : i32
    %dma_start3A_131 = arith.constant 0 : i32
    %dma_start3A_132 = tpu.memref_slice %arg6[%dma_start3A_130, %dma_start3A_131] : memref<5x256xi32, #tpu.memory_space<vmem>> -> memref<1x256xi32, #tpu.memory_space<vmem>>
    %dma_start3A_133 = tpu.memref_squeeze %dma_start3A_132 : memref<1x256xi32, #tpu.memory_space<vmem>> -> memref<256xi32, #tpu.memory_space<vmem>>
    %dma_start3A_134 = arith.constant 0 : i32
    %dma_start3A_135 = tpu.memref_slice %arg3[%add3A_129, %dma_start3A_134] : memref<640x256xi32, #tpu.memory_space<hbm>> -> memref<1x256xi32, #tpu.memory_space<hbm>>
    %dma_start3A_136 = tpu.memref_squeeze %dma_start3A_135 : memref<1x256xi32, #tpu.memory_space<hbm>> -> memref<256xi32, #tpu.memory_space<hbm>>
    %dma_start3A_137 = arith.constant 0 : i32
    %dma_start3A_138 = tpu.memref_slice %arg6[%dma_start3A_130, %dma_start3A_137] : memref<5x256xi32, #tpu.memory_space<vmem>> -> memref<1x256xi32, #tpu.memory_space<vmem>>
    %dma_start3A_139 = tpu.memref_squeeze %dma_start3A_138 : memref<1x256xi32, #tpu.memory_space<vmem>> -> memref<256xi32, #tpu.memory_space<vmem>>
    %dma_start3A_140 = arith.constant 0 : i32
    %dma_start3A_141 = tpu.memref_slice %arg3[%add3A_129, %dma_start3A_140] : memref<640x256xi32, #tpu.memory_space<hbm>> -> memref<1x256xi32, #tpu.memory_space<hbm>>
    %dma_start3A_142 = tpu.memref_squeeze %dma_start3A_141 : memref<1x256xi32, #tpu.memory_space<hbm>> -> memref<256xi32, #tpu.memory_space<hbm>>
    tpu.enqueue_dma source(%dma_start3A_142 : memref<256xi32, #tpu.memory_space<hbm>>) target(%dma_start3A_139 : memref<256xi32, #tpu.memory_space<vmem>>) target_semaphore(%arg28 : memref<!tpu.dma_semaphore, #tpu.memory_space<semaphore_mem>>)
    %add3A_143 = arith.constant 4 : i32
    %add3A_144 = arith.addi %mul3A_0, %add3A_143 : i32
    %dma_start3A_145 = arith.constant 4 : i32
    %dma_start3A_146 = arith.constant 0 : i32
    %dma_start3A_147 = tpu.memref_slice %arg7[%dma_start3A_145, %dma_start3A_146] : memref<5x256xi32, #tpu.memory_space<vmem>> -> memref<1x256xi32, #tpu.memory_space<vmem>>
    %dma_start3A_148 = tpu.memref_squeeze %dma_start3A_147 : memref<1x256xi32, #tpu.memory_space<vmem>> -> memref<256xi32, #tpu.memory_space<vmem>>
    %dma_start3A_149 = arith.constant 0 : i32
    %dma_start3A_150 = tpu.memref_slice %arg4[%arg0, %add3A_144, %dma_start3A_149] : memref<2x640x256xi32, #tpu.memory_space<hbm>> -> memref<1x1x256xi32, #tpu.memory_space<hbm>>
    %dma_start3A_151 = tpu.memref_squeeze %dma_start3A_150 : memref<1x1x256xi32, #tpu.memory_space<hbm>> -> memref<256xi32, #tpu.memory_space<hbm>>
    %dma_start3A_152 = arith.constant 0 : i32
    %dma_start3A_153 = tpu.memref_slice %arg7[%dma_start3A_145, %dma_start3A_152] : memref<5x256xi32, #tpu.memory_space<vmem>> -> memref<1x256xi32, #tpu.memory_space<vmem>>
    %dma_start3A_154 = tpu.memref_squeeze %dma_start3A_153 : memref<1x256xi32, #tpu.memory_space<vmem>> -> memref<256xi32, #tpu.memory_space<vmem>>
    %dma_start3A_155 = arith.constant 0 : i32
    %dma_start3A_156 = tpu.memref_slice %arg4[%arg0, %add3A_144, %dma_start3A_155] : memref<2x640x256xi32, #tpu.memory_space<hbm>> -> memref<1x1x256xi32, #tpu.memory_space<hbm>>
    %dma_start3A_157 = tpu.memref_squeeze %dma_start3A_156 : memref<1x1x256xi32, #tpu.memory_space<hbm>> -> memref<256xi32, #tpu.memory_space<hbm>>
    tpu.enqueue_dma source(%dma_start3A_157 : memref<256xi32, #tpu.memory_space<hbm>>) target(%dma_start3A_154 : memref<256xi32, #tpu.memory_space<vmem>>) target_semaphore(%arg33 : memref<!tpu.dma_semaphore, #tpu.memory_space<semaphore_mem>>)
    %add3A_158 = arith.constant 0 : i32
    %add3A_159 = arith.addi %mul3A_0, %add3A_158 : i32
    %dma_wait3A = arith.constant 0 : i32
    %dma_wait3A_160 = arith.constant 0 : i32
    %dma_wait3A_161 = tpu.memref_slice %arg7[%dma_wait3A, %dma_wait3A_160] : memref<5x256xi32, #tpu.memory_space<vmem>> -> memref<1x256xi32, #tpu.memory_space<vmem>>
    %dma_wait3A_162 = tpu.memref_squeeze %dma_wait3A_161 : memref<1x256xi32, #tpu.memory_space<vmem>> -> memref<256xi32, #tpu.memory_space<vmem>>
    %dma_wait3A_163 = arith.constant 0 : i32
    %dma_wait3A_164 = tpu.memref_slice %arg4[%arg0, %add3A_159, %dma_wait3A_163] : memref<2x640x256xi32, #tpu.memory_space<hbm>> -> memref<1x1x256xi32, #tpu.memory_space<hbm>>
    %dma_wait3A_165 = tpu.memref_squeeze %dma_wait3A_164 : memref<1x1x256xi32, #tpu.memory_space<hbm>> -> memref<256xi32, #tpu.memory_space<hbm>>
    %dma_wait3A_166 = arith.constant 0 : i32
    %dma_wait3A_167 = tpu.memref_slice %arg7[%dma_wait3A, %dma_wait3A_166] : memref<5x256xi32, #tpu.memory_space<vmem>> -> memref<1x256xi32, #tpu.memory_space<vmem>>
    %dma_wait3A_168 = tpu.memref_squeeze %dma_wait3A_167 : memref<1x256xi32, #tpu.memory_space<vmem>> -> memref<256xi32, #tpu.memory_space<vmem>>
    %dma_wait3A_169 = arith.constant 0 : i32
    %dma_wait3A_170 = tpu.memref_slice %arg4[%arg0, %add3A_159, %dma_wait3A_169] : memref<2x640x256xi32, #tpu.memory_space<hbm>> -> memref<1x1x256xi32, #tpu.memory_space<hbm>>
    %dma_wait3A_171 = tpu.memref_squeeze %dma_wait3A_170 : memref<1x1x256xi32, #tpu.memory_space<hbm>> -> memref<256xi32, #tpu.memory_space<hbm>>
    tpu.wait_dma2 semaphore(%arg29 : memref<!tpu.dma_semaphore, #tpu.memory_space<semaphore_mem>>) src(%dma_wait3A_171 : memref<256xi32, #tpu.memory_space<hbm>>) dst(%dma_wait3A_168 : memref<256xi32, #tpu.memory_space<vmem>>)
    %dma_start3A_172 = arith.constant 0 : i32
    %dma_start3A_173 = arith.constant 0 : i32
    %dma_start3A_174 = tpu.memref_slice %arg7[%dma_start3A_172, %dma_start3A_173] : memref<5x256xi32, #tpu.memory_space<vmem>> -> memref<1x256xi32, #tpu.memory_space<vmem>>
    %dma_start3A_175 = tpu.memref_squeeze %dma_start3A_174 : memref<1x256xi32, #tpu.memory_space<vmem>> -> memref<256xi32, #tpu.memory_space<vmem>>
    %dma_start3A_176 = arith.constant 0 : i32
    %dma_start3A_177 = arith.constant 0 : i32
    %dma_start3A_178 = tpu.memref_slice %arg2[%dma_start3A_176, %dma_start3A_177] : memref<20000x128xbf16, #tpu.memory_space<hbm>> -> memref<20000x128xbf16, #tpu.memory_space<hbm>>
    tpu.enqueue_indirect_dma source(%dma_start3A_178 : memref<20000x128xbf16, #tpu.memory_space<hbm>>) target(%arg8 : memref<256x128xbf16, #tpu.memory_space<vmem>>) offsets(%dma_start3A_175 : memref<256xi32, #tpu.memory_space<vmem>>) semaphore(%arg14 : memref<!tpu.dma_semaphore, #tpu.memory_space<semaphore_mem>>)
    %add3A_179 = arith.constant 1 : i32
    %add3A_180 = arith.addi %mul3A_0, %add3A_179 : i32
    %dma_wait3A_181 = arith.constant 1 : i32
    %dma_wait3A_182 = arith.constant 0 : i32
    %dma_wait3A_183 = tpu.memref_slice %arg7[%dma_wait3A_181, %dma_wait3A_182] : memref<5x256xi32, #tpu.memory_space<vmem>> -> memref<1x256xi32, #tpu.memory_space<vmem>>
    %dma_wait3A_184 = tpu.memref_squeeze %dma_wait3A_183 : memref<1x256xi32, #tpu.memory_space<vmem>> -> memref<256xi32, #tpu.memory_space<vmem>>
    %dma_wait3A_185 = arith.constant 0 : i32
    %dma_wait3A_186 = tpu.memref_slice %arg4[%arg0, %add3A_180, %dma_wait3A_185] : memref<2x640x256xi32, #tpu.memory_space<hbm>> -> memref<1x1x256xi32, #tpu.memory_space<hbm>>
    %dma_wait3A_187 = tpu.memref_squeeze %dma_wait3A_186 : memref<1x1x256xi32, #tpu.memory_space<hbm>> -> memref<256xi32, #tpu.memory_space<hbm>>
    %dma_wait3A_188 = arith.constant 0 : i32
    %dma_wait3A_189 = tpu.memref_slice %arg7[%dma_wait3A_181, %dma_wait3A_188] : memref<5x256xi32, #tpu.memory_space<vmem>> -> memref<1x256xi32, #tpu.memory_space<vmem>>
    %dma_wait3A_190 = tpu.memref_squeeze %dma_wait3A_189 : memref<1x256xi32, #tpu.memory_space<vmem>> -> memref<256xi32, #tpu.memory_space<vmem>>
    %dma_wait3A_191 = arith.constant 0 : i32
    %dma_wait3A_192 = tpu.memref_slice %arg4[%arg0, %add3A_180, %dma_wait3A_191] : memref<2x640x256xi32, #tpu.memory_space<hbm>> -> memref<1x1x256xi32, #tpu.memory_space<hbm>>
    %dma_wait3A_193 = tpu.memref_squeeze %dma_wait3A_192 : memref<1x1x256xi32, #tpu.memory_space<hbm>> -> memref<256xi32, #tpu.memory_space<hbm>>
    tpu.wait_dma2 semaphore(%arg30 : memref<!tpu.dma_semaphore, #tpu.memory_space<semaphore_mem>>) src(%dma_wait3A_193 : memref<256xi32, #tpu.memory_space<hbm>>) dst(%dma_wait3A_190 : memref<256xi32, #tpu.memory_space<vmem>>)
    %dma_start3A_194 = arith.constant 1 : i32
    %dma_start3A_195 = arith.constant 0 : i32
    %dma_start3A_196 = tpu.memref_slice %arg7[%dma_start3A_194, %dma_start3A_195] : memref<5x256xi32, #tpu.memory_space<vmem>> -> memref<1x256xi32, #tpu.memory_space<vmem>>
    %dma_start3A_197 = tpu.memref_squeeze %dma_start3A_196 : memref<1x256xi32, #tpu.memory_space<vmem>> -> memref<256xi32, #tpu.memory_space<vmem>>
    %dma_start3A_198 = arith.constant 0 : i32
    %dma_start3A_199 = arith.constant 0 : i32
    %dma_start3A_200 = tpu.memref_slice %arg2[%dma_start3A_198, %dma_start3A_199] : memref<20000x128xbf16, #tpu.memory_space<hbm>> -> memref<20000x128xbf16, #tpu.memory_space<hbm>>
    tpu.enqueue_indirect_dma source(%dma_start3A_200 : memref<20000x128xbf16, #tpu.memory_space<hbm>>) target(%arg9 : memref<256x128xbf16, #tpu.memory_space<vmem>>) offsets(%dma_start3A_197 : memref<256xi32, #tpu.memory_space<vmem>>) semaphore(%arg15 : memref<!tpu.dma_semaphore, #tpu.memory_space<semaphore_mem>>)
    %add3A_201 = arith.constant 2 : i32
    %add3A_202 = arith.addi %mul3A_0, %add3A_201 : i32
    %dma_wait3A_203 = arith.constant 2 : i32
    %dma_wait3A_204 = arith.constant 0 : i32
    %dma_wait3A_205 = tpu.memref_slice %arg7[%dma_wait3A_203, %dma_wait3A_204] : memref<5x256xi32, #tpu.memory_space<vmem>> -> memref<1x256xi32, #tpu.memory_space<vmem>>
    %dma_wait3A_206 = tpu.memref_squeeze %dma_wait3A_205 : memref<1x256xi32, #tpu.memory_space<vmem>> -> memref<256xi32, #tpu.memory_space<vmem>>
    %dma_wait3A_207 = arith.constant 0 : i32
    %dma_wait3A_208 = tpu.memref_slice %arg4[%arg0, %add3A_202, %dma_wait3A_207] : memref<2x640x256xi32, #tpu.memory_space<hbm>> -> memref<1x1x256xi32, #tpu.memory_space<hbm>>
    %dma_wait3A_209 = tpu.memref_squeeze %dma_wait3A_208 : memref<1x1x256xi32, #tpu.memory_space<hbm>> -> memref<256xi32, #tpu.memory_space<hbm>>
    %dma_wait3A_210 = arith.constant 0 : i32
    %dma_wait3A_211 = tpu.memref_slice %arg7[%dma_wait3A_203, %dma_wait3A_210] : memref<5x256xi32, #tpu.memory_space<vmem>> -> memref<1x256xi32, #tpu.memory_space<vmem>>
    %dma_wait3A_212 = tpu.memref_squeeze %dma_wait3A_211 : memref<1x256xi32, #tpu.memory_space<vmem>> -> memref<256xi32, #tpu.memory_space<vmem>>
    %dma_wait3A_213 = arith.constant 0 : i32
    %dma_wait3A_214 = tpu.memref_slice %arg4[%arg0, %add3A_202, %dma_wait3A_213] : memref<2x640x256xi32, #tpu.memory_space<hbm>> -> memref<1x1x256xi32, #tpu.memory_space<hbm>>
    %dma_wait3A_215 = tpu.memref_squeeze %dma_wait3A_214 : memref<1x1x256xi32, #tpu.memory_space<hbm>> -> memref<256xi32, #tpu.memory_space<hbm>>
    tpu.wait_dma2 semaphore(%arg31 : memref<!tpu.dma_semaphore, #tpu.memory_space<semaphore_mem>>) src(%dma_wait3A_215 : memref<256xi32, #tpu.memory_space<hbm>>) dst(%dma_wait3A_212 : memref<256xi32, #tpu.memory_space<vmem>>)
    %dma_start3A_216 = arith.constant 2 : i32
    %dma_start3A_217 = arith.constant 0 : i32
    %dma_start3A_218 = tpu.memref_slice %arg7[%dma_start3A_216, %dma_start3A_217] : memref<5x256xi32, #tpu.memory_space<vmem>> -> memref<1x256xi32, #tpu.memory_space<vmem>>
    %dma_start3A_219 = tpu.memref_squeeze %dma_start3A_218 : memref<1x256xi32, #tpu.memory_space<vmem>> -> memref<256xi32, #tpu.memory_space<vmem>>
    %dma_start3A_220 = arith.constant 0 : i32
    %dma_start3A_221 = arith.constant 0 : i32
    %dma_start3A_222 = tpu.memref_slice %arg2[%dma_start3A_220, %dma_start3A_221] : memref<20000x128xbf16, #tpu.memory_space<hbm>> -> memref<20000x128xbf16, #tpu.memory_space<hbm>>
    tpu.enqueue_indirect_dma source(%dma_start3A_222 : memref<20000x128xbf16, #tpu.memory_space<hbm>>) target(%arg10 : memref<256x128xbf16, #tpu.memory_space<vmem>>) offsets(%dma_start3A_219 : memref<256xi32, #tpu.memory_space<vmem>>) semaphore(%arg16 : memref<!tpu.dma_semaphore, #tpu.memory_space<semaphore_mem>>)
    %add3A_223 = arith.constant 3 : i32
    %add3A_224 = arith.addi %mul3A_0, %add3A_223 : i32
    %dma_wait3A_225 = arith.constant 3 : i32
    %dma_wait3A_226 = arith.constant 0 : i32
    %dma_wait3A_227 = tpu.memref_slice %arg7[%dma_wait3A_225, %dma_wait3A_226] : memref<5x256xi32, #tpu.memory_space<vmem>> -> memref<1x256xi32, #tpu.memory_space<vmem>>
    %dma_wait3A_228 = tpu.memref_squeeze %dma_wait3A_227 : memref<1x256xi32, #tpu.memory_space<vmem>> -> memref<256xi32, #tpu.memory_space<vmem>>
    %dma_wait3A_229 = arith.constant 0 : i32
    %dma_wait3A_230 = tpu.memref_slice %arg4[%arg0, %add3A_224, %dma_wait3A_229] : memref<2x640x256xi32, #tpu.memory_space<hbm>> -> memref<1x1x256xi32, #tpu.memory_space<hbm>>
    %dma_wait3A_231 = tpu.memref_squeeze %dma_wait3A_230 : memref<1x1x256xi32, #tpu.memory_space<hbm>> -> memref<256xi32, #tpu.memory_space<hbm>>
    %dma_wait3A_232 = arith.constant 0 : i32
    %dma_wait3A_233 = tpu.memref_slice %arg7[%dma_wait3A_225, %dma_wait3A_232] : memref<5x256xi32, #tpu.memory_space<vmem>> -> memref<1x256xi32, #tpu.memory_space<vmem>>
    %dma_wait3A_234 = tpu.memref_squeeze %dma_wait3A_233 : memref<1x256xi32, #tpu.memory_space<vmem>> -> memref<256xi32, #tpu.memory_space<vmem>>
    %dma_wait3A_235 = arith.constant 0 : i32
    %dma_wait3A_236 = tpu.memref_slice %arg4[%arg0, %add3A_224, %dma_wait3A_235] : memref<2x640x256xi32, #tpu.memory_space<hbm>> -> memref<1x1x256xi32, #tpu.memory_space<hbm>>
    %dma_wait3A_237 = tpu.memref_squeeze %dma_wait3A_236 : memref<1x1x256xi32, #tpu.memory_space<hbm>> -> memref<256xi32, #tpu.memory_space<hbm>>
    tpu.wait_dma2 semaphore(%arg32 : memref<!tpu.dma_semaphore, #tpu.memory_space<semaphore_mem>>) src(%dma_wait3A_237 : memref<256xi32, #tpu.memory_space<hbm>>) dst(%dma_wait3A_234 : memref<256xi32, #tpu.memory_space<vmem>>)
    %dma_start3A_238 = arith.constant 3 : i32
    %dma_start3A_239 = arith.constant 0 : i32
    %dma_start3A_240 = tpu.memref_slice %arg7[%dma_start3A_238, %dma_start3A_239] : memref<5x256xi32, #tpu.memory_space<vmem>> -> memref<1x256xi32, #tpu.memory_space<vmem>>
    %dma_start3A_241 = tpu.memref_squeeze %dma_start3A_240 : memref<1x256xi32, #tpu.memory_space<vmem>> -> memref<256xi32, #tpu.memory_space<vmem>>
    %dma_start3A_242 = arith.constant 0 : i32
    %dma_start3A_243 = arith.constant 0 : i32
    %dma_start3A_244 = tpu.memref_slice %arg2[%dma_start3A_242, %dma_start3A_243] : memref<20000x128xbf16, #tpu.memory_space<hbm>> -> memref<20000x128xbf16, #tpu.memory_space<hbm>>
    tpu.enqueue_indirect_dma source(%dma_start3A_244 : memref<20000x128xbf16, #tpu.memory_space<hbm>>) target(%arg11 : memref<256x128xbf16, #tpu.memory_space<vmem>>) offsets(%dma_start3A_241 : memref<256xi32, #tpu.memory_space<vmem>>) semaphore(%arg17 : memref<!tpu.dma_semaphore, #tpu.memory_space<semaphore_mem>>)
    %add3A_245 = arith.constant 4 : i32
    %add3A_246 = arith.addi %mul3A_0, %add3A_245 : i32
    %dma_wait3A_247 = arith.constant 4 : i32
    %dma_wait3A_248 = arith.constant 0 : i32
    %dma_wait3A_249 = tpu.memref_slice %arg7[%dma_wait3A_247, %dma_wait3A_248] : memref<5x256xi32, #tpu.memory_space<vmem>> -> memref<1x256xi32, #tpu.memory_space<vmem>>
    %dma_wait3A_250 = tpu.memref_squeeze %dma_wait3A_249 : memref<1x256xi32, #tpu.memory_space<vmem>> -> memref<256xi32, #tpu.memory_space<vmem>>
    %dma_wait3A_251 = arith.constant 0 : i32
    %dma_wait3A_252 = tpu.memref_slice %arg4[%arg0, %add3A_246, %dma_wait3A_251] : memref<2x640x256xi32, #tpu.memory_space<hbm>> -> memref<1x1x256xi32, #tpu.memory_space<hbm>>
    %dma_wait3A_253 = tpu.memref_squeeze %dma_wait3A_252 : memref<1x1x256xi32, #tpu.memory_space<hbm>> -> memref<256xi32, #tpu.memory_space<hbm>>
    %dma_wait3A_254 = arith.constant 0 : i32
    %dma_wait3A_255 = tpu.memref_slice %arg7[%dma_wait3A_247, %dma_wait3A_254] : memref<5x256xi32, #tpu.memory_space<vmem>> -> memref<1x256xi32, #tpu.memory_space<vmem>>
    %dma_wait3A_256 = tpu.memref_squeeze %dma_wait3A_255 : memref<1x256xi32, #tpu.memory_space<vmem>> -> memref<256xi32, #tpu.memory_space<vmem>>
    %dma_wait3A_257 = arith.constant 0 : i32
    %dma_wait3A_258 = tpu.memref_slice %arg4[%arg0, %add3A_246, %dma_wait3A_257] : memref<2x640x256xi32, #tpu.memory_space<hbm>> -> memref<1x1x256xi32, #tpu.memory_space<hbm>>
    %dma_wait3A_259 = tpu.memref_squeeze %dma_wait3A_258 : memref<1x1x256xi32, #tpu.memory_space<hbm>> -> memref<256xi32, #tpu.memory_space<hbm>>
    tpu.wait_dma2 semaphore(%arg33 : memref<!tpu.dma_semaphore, #tpu.memory_space<semaphore_mem>>) src(%dma_wait3A_259 : memref<256xi32, #tpu.memory_space<hbm>>) dst(%dma_wait3A_256 : memref<256xi32, #tpu.memory_space<vmem>>)
    %dma_start3A_260 = arith.constant 4 : i32
    %dma_start3A_261 = arith.constant 0 : i32
    %dma_start3A_262 = tpu.memref_slice %arg7[%dma_start3A_260, %dma_start3A_261] : memref<5x256xi32, #tpu.memory_space<vmem>> -> memref<1x256xi32, #tpu.memory_space<vmem>>
    %dma_start3A_263 = tpu.memref_squeeze %dma_start3A_262 : memref<1x256xi32, #tpu.memory_space<vmem>> -> memref<256xi32, #tpu.memory_space<vmem>>
    %dma_start3A_264 = arith.constant 0 : i32
    %dma_start3A_265 = arith.constant 0 : i32
    %dma_start3A_266 = tpu.memref_slice %arg2[%dma_start3A_264, %dma_start3A_265] : memref<20000x128xbf16, #tpu.memory_space<hbm>> -> memref<20000x128xbf16, #tpu.memory_space<hbm>>
    tpu.enqueue_indirect_dma source(%dma_start3A_266 : memref<20000x128xbf16, #tpu.memory_space<hbm>>) target(%arg12 : memref<256x128xbf16, #tpu.memory_space<vmem>>) offsets(%dma_start3A_263 : memref<256xi32, #tpu.memory_space<vmem>>) semaphore(%arg18 : memref<!tpu.dma_semaphore, #tpu.memory_space<semaphore_mem>>)
    %scan3A = arith.constant 0 : i32
    %scan3A_267 = arith.constant 0 : i32
    %scan3A_268 = arith.constant 8 : i32
    %scan3A_269 = arith.addi %scan3A_267, %scan3A_268 : i32
    %scan3A_270 = arith.constant 1 : i32
    scf.for %scan3A_282 = %scan3A_267 to %scan3A_269 step %scan3A_270  : i32 {
      %mul3A_283 = arith.constant 5 : i32
      %mul3A_284 = arith.muli %scan3A_282, %mul3A_283 : i32
      %add3A_285 = arith.constant 0 : i32
      %add3A_286 = arith.addi %mul3A_284, %add3A_285 : i32
      %lt3A = arith.constant 40 : i32
      %lt3A_287 = arith.cmpi slt, %add3A_286, %lt3A : i32
      %convert_element_type3A_288 = arith.extui %lt3A_287 : i1 to i32
      %cond3A_289 = arith.constant 0 : i32
      %cond3A_290 = arith.cmpi ne, %convert_element_type3A_288, %cond3A_289 : i32
      scf.if %cond3A_290 {
        %dma_wait3A_442 = arith.constant 0 : i32
        %dma_wait3A_443 = arith.constant 0 : i32
        %dma_wait3A_444 = tpu.memref_slice %arg7[%dma_wait3A_442, %dma_wait3A_443] : memref<5x256xi32, #tpu.memory_space<vmem>> -> memref<1x256xi32, #tpu.memory_space<vmem>>
        %dma_wait3A_445 = tpu.memref_squeeze %dma_wait3A_444 : memref<1x256xi32, #tpu.memory_space<vmem>> -> memref<256xi32, #tpu.memory_space<vmem>>
        %dma_wait3A_446 = arith.constant 0 : i32
        %dma_wait3A_447 = arith.constant 0 : i32
        %dma_wait3A_448 = tpu.memref_slice %arg2[%dma_wait3A_446, %dma_wait3A_447] : memref<20000x128xbf16, #tpu.memory_space<hbm>> -> memref<20000x128xbf16, #tpu.memory_space<hbm>>
        tpu.wait_indirect_dma semaphore(%arg14 : memref<!tpu.dma_semaphore, #tpu.memory_space<semaphore_mem>>) src(%dma_wait3A_448 : memref<20000x128xbf16, #tpu.memory_space<hbm>>) dst(%arg8 : memref<256x128xbf16, #tpu.memory_space<vmem>>)
        %add3A_449 = arith.addi %mul3A_0, %add3A_286 : i32
        %dma_wait3A_450 = arith.constant 0 : i32
        %dma_wait3A_451 = arith.constant 0 : i32
        %dma_wait3A_452 = tpu.memref_slice %arg6[%dma_wait3A_450, %dma_wait3A_451] : memref<5x256xi32, #tpu.memory_space<vmem>> -> memref<1x256xi32, #tpu.memory_space<vmem>>
        %dma_wait3A_453 = tpu.memref_squeeze %dma_wait3A_452 : memref<1x256xi32, #tpu.memory_space<vmem>> -> memref<256xi32, #tpu.memory_space<vmem>>
        %dma_wait3A_454 = arith.constant 0 : i32
        %dma_wait3A_455 = tpu.memref_slice %arg3[%add3A_449, %dma_wait3A_454] : memref<640x256xi32, #tpu.memory_space<hbm>> -> memref<1x256xi32, #tpu.memory_space<hbm>>
        %dma_wait3A_456 = tpu.memref_squeeze %dma_wait3A_455 : memref<1x256xi32, #tpu.memory_space<hbm>> -> memref<256xi32, #tpu.memory_space<hbm>>
        %dma_wait3A_457 = arith.constant 0 : i32
        %dma_wait3A_458 = tpu.memref_slice %arg6[%dma_wait3A_450, %dma_wait3A_457] : memref<5x256xi32, #tpu.memory_space<vmem>> -> memref<1x256xi32, #tpu.memory_space<vmem>>
        %dma_wait3A_459 = tpu.memref_squeeze %dma_wait3A_458 : memref<1x256xi32, #tpu.memory_space<vmem>> -> memref<256xi32, #tpu.memory_space<vmem>>
        %dma_wait3A_460 = arith.constant 0 : i32
        %dma_wait3A_461 = tpu.memref_slice %arg3[%add3A_449, %dma_wait3A_460] : memref<640x256xi32, #tpu.memory_space<hbm>> -> memref<1x256xi32, #tpu.memory_space<hbm>>
        %dma_wait3A_462 = tpu.memref_squeeze %dma_wait3A_461 : memref<1x256xi32, #tpu.memory_space<hbm>> -> memref<256xi32, #tpu.memory_space<hbm>>
        tpu.wait_dma2 semaphore(%arg24 : memref<!tpu.dma_semaphore, #tpu.memory_space<semaphore_mem>>) src(%dma_wait3A_462 : memref<256xi32, #tpu.memory_space<hbm>>) dst(%dma_wait3A_459 : memref<256xi32, #tpu.memory_space<vmem>>)
        %dma_start3A_463 = arith.constant 0 : i32
        %dma_start3A_464 = arith.constant 0 : i32
        %dma_start3A_465 = tpu.memref_slice %arg6[%dma_start3A_463, %dma_start3A_464] : memref<5x256xi32, #tpu.memory_space<vmem>> -> memref<1x256xi32, #tpu.memory_space<vmem>>
        %dma_start3A_466 = tpu.memref_squeeze %dma_start3A_465 : memref<1x256xi32, #tpu.memory_space<vmem>> -> memref<256xi32, #tpu.memory_space<vmem>>
        %dma_start3A_467 = arith.constant 0 : i32
        %dma_start3A_468 = arith.constant 0 : i32
        %dma_start3A_469 = tpu.memref_slice %arg13[%dma_start3A_467, %dma_start3A_468] : memref<10008x128xbf16, #tpu.memory_space<vmem_shared>> -> memref<10008x128xbf16, #tpu.memory_space<vmem_shared>>
        tpu.enqueue_indirect_dma source(%arg8 : memref<256x128xbf16, #tpu.memory_space<vmem>>) target(%dma_start3A_469 : memref<10008x128xbf16, #tpu.memory_space<vmem_shared>>) offsets(%dma_start3A_466 : memref<256xi32, #tpu.memory_space<vmem>>) semaphore(%arg19 : memref<!tpu.dma_semaphore, #tpu.memory_space<semaphore_mem>>) {add = true}
      } else {
      }
      %add3A_291 = arith.constant 5 : i32
      %add3A_292 = arith.addi %add3A_286, %add3A_291 : i32
      %lt3A_293 = arith.constant 40 : i32
      %lt3A_294 = arith.cmpi slt, %add3A_292, %lt3A_293 : i32
      %convert_element_type3A_295 = arith.extui %lt3A_294 : i1 to i32
      %cond3A_296 = arith.constant 0 : i32
      %cond3A_297 = arith.cmpi ne, %convert_element_type3A_295, %cond3A_296 : i32
      scf.if %cond3A_297 {
        %add3A_442 = arith.addi %mul3A_0, %add3A_286 : i32
        %add3A_443 = arith.constant 5 : i32
        %add3A_444 = arith.addi %add3A_442, %add3A_443 : i32
        %dma_start3A_445 = arith.constant 0 : i32
        %dma_start3A_446 = arith.constant 0 : i32
        %dma_start3A_447 = tpu.memref_slice %arg7[%dma_start3A_445, %dma_start3A_446] : memref<5x256xi32, #tpu.memory_space<vmem>> -> memref<1x256xi32, #tpu.memory_space<vmem>>
        %dma_start3A_448 = tpu.memref_squeeze %dma_start3A_447 : memref<1x256xi32, #tpu.memory_space<vmem>> -> memref<256xi32, #tpu.memory_space<vmem>>
        %dma_start3A_449 = arith.constant 0 : i32
        %dma_start3A_450 = tpu.memref_slice %arg4[%arg0, %add3A_444, %dma_start3A_449] : memref<2x640x256xi32, #tpu.memory_space<hbm>> -> memref<1x1x256xi32, #tpu.memory_space<hbm>>
        %dma_start3A_451 = tpu.memref_squeeze %dma_start3A_450 : memref<1x1x256xi32, #tpu.memory_space<hbm>> -> memref<256xi32, #tpu.memory_space<hbm>>
        %dma_start3A_452 = arith.constant 0 : i32
        %dma_start3A_453 = tpu.memref_slice %arg7[%dma_start3A_445, %dma_start3A_452] : memref<5x256xi32, #tpu.memory_space<vmem>> -> memref<1x256xi32, #tpu.memory_space<vmem>>
        %dma_start3A_454 = tpu.memref_squeeze %dma_start3A_453 : memref<1x256xi32, #tpu.memory_space<vmem>> -> memref<256xi32, #tpu.memory_space<vmem>>
        %dma_start3A_455 = arith.constant 0 : i32
        %dma_start3A_456 = tpu.memref_slice %arg4[%arg0, %add3A_444, %dma_start3A_455] : memref<2x640x256xi32, #tpu.memory_space<hbm>> -> memref<1x1x256xi32, #tpu.memory_space<hbm>>
        %dma_start3A_457 = tpu.memref_squeeze %dma_start3A_456 : memref<1x1x256xi32, #tpu.memory_space<hbm>> -> memref<256xi32, #tpu.memory_space<hbm>>
        tpu.enqueue_dma source(%dma_start3A_457 : memref<256xi32, #tpu.memory_space<hbm>>) target(%dma_start3A_454 : memref<256xi32, #tpu.memory_space<vmem>>) target_semaphore(%arg29 : memref<!tpu.dma_semaphore, #tpu.memory_space<semaphore_mem>>)
      } else {
      }
      %mul3A_298 = arith.constant 5 : i32
      %mul3A_299 = arith.muli %scan3A_282, %mul3A_298 : i32
      %add3A_300 = arith.constant 1 : i32
      %add3A_301 = arith.addi %mul3A_299, %add3A_300 : i32
      %lt3A_302 = arith.constant 40 : i32
      %lt3A_303 = arith.cmpi slt, %add3A_301, %lt3A_302 : i32
      %convert_element_type3A_304 = arith.extui %lt3A_303 : i1 to i32
      %cond3A_305 = arith.constant 0 : i32
      %cond3A_306 = arith.cmpi ne, %convert_element_type3A_304, %cond3A_305 : i32
      scf.if %cond3A_306 {
        %dma_wait3A_442 = arith.constant 1 : i32
        %dma_wait3A_443 = arith.constant 0 : i32
        %dma_wait3A_444 = tpu.memref_slice %arg7[%dma_wait3A_442, %dma_wait3A_443] : memref<5x256xi32, #tpu.memory_space<vmem>> -> memref<1x256xi32, #tpu.memory_space<vmem>>
        %dma_wait3A_445 = tpu.memref_squeeze %dma_wait3A_444 : memref<1x256xi32, #tpu.memory_space<vmem>> -> memref<256xi32, #tpu.memory_space<vmem>>
        %dma_wait3A_446 = arith.constant 0 : i32
        %dma_wait3A_447 = arith.constant 0 : i32
        %dma_wait3A_448 = tpu.memref_slice %arg2[%dma_wait3A_446, %dma_wait3A_447] : memref<20000x128xbf16, #tpu.memory_space<hbm>> -> memref<20000x128xbf16, #tpu.memory_space<hbm>>
        tpu.wait_indirect_dma semaphore(%arg15 : memref<!tpu.dma_semaphore, #tpu.memory_space<semaphore_mem>>) src(%dma_wait3A_448 : memref<20000x128xbf16, #tpu.memory_space<hbm>>) dst(%arg9 : memref<256x128xbf16, #tpu.memory_space<vmem>>)
        %add3A_449 = arith.addi %mul3A_0, %add3A_301 : i32
        %dma_wait3A_450 = arith.constant 1 : i32
        %dma_wait3A_451 = arith.constant 0 : i32
        %dma_wait3A_452 = tpu.memref_slice %arg6[%dma_wait3A_450, %dma_wait3A_451] : memref<5x256xi32, #tpu.memory_space<vmem>> -> memref<1x256xi32, #tpu.memory_space<vmem>>
        %dma_wait3A_453 = tpu.memref_squeeze %dma_wait3A_452 : memref<1x256xi32, #tpu.memory_space<vmem>> -> memref<256xi32, #tpu.memory_space<vmem>>
        %dma_wait3A_454 = arith.constant 0 : i32
        %dma_wait3A_455 = tpu.memref_slice %arg3[%add3A_449, %dma_wait3A_454] : memref<640x256xi32, #tpu.memory_space<hbm>> -> memref<1x256xi32, #tpu.memory_space<hbm>>
        %dma_wait3A_456 = tpu.memref_squeeze %dma_wait3A_455 : memref<1x256xi32, #tpu.memory_space<hbm>> -> memref<256xi32, #tpu.memory_space<hbm>>
        %dma_wait3A_457 = arith.constant 0 : i32
        %dma_wait3A_458 = tpu.memref_slice %arg6[%dma_wait3A_450, %dma_wait3A_457] : memref<5x256xi32, #tpu.memory_space<vmem>> -> memref<1x256xi32, #tpu.memory_space<vmem>>
        %dma_wait3A_459 = tpu.memref_squeeze %dma_wait3A_458 : memref<1x256xi32, #tpu.memory_space<vmem>> -> memref<256xi32, #tpu.memory_space<vmem>>
        %dma_wait3A_460 = arith.constant 0 : i32
        %dma_wait3A_461 = tpu.memref_slice %arg3[%add3A_449, %dma_wait3A_460] : memref<640x256xi32, #tpu.memory_space<hbm>> -> memref<1x256xi32, #tpu.memory_space<hbm>>
        %dma_wait3A_462 = tpu.memref_squeeze %dma_wait3A_461 : memref<1x256xi32, #tpu.memory_space<hbm>> -> memref<256xi32, #tpu.memory_space<hbm>>
        tpu.wait_dma2 semaphore(%arg25 : memref<!tpu.dma_semaphore, #tpu.memory_space<semaphore_mem>>) src(%dma_wait3A_462 : memref<256xi32, #tpu.memory_space<hbm>>) dst(%dma_wait3A_459 : memref<256xi32, #tpu.memory_space<vmem>>)
        %dma_start3A_463 = arith.constant 1 : i32
        %dma_start3A_464 = arith.constant 0 : i32
        %dma_start3A_465 = tpu.memref_slice %arg6[%dma_start3A_463, %dma_start3A_464] : memref<5x256xi32, #tpu.memory_space<vmem>> -> memref<1x256xi32, #tpu.memory_space<vmem>>
        %dma_start3A_466 = tpu.memref_squeeze %dma_start3A_465 : memref<1x256xi32, #tpu.memory_space<vmem>> -> memref<256xi32, #tpu.memory_space<vmem>>
        %dma_start3A_467 = arith.constant 0 : i32
        %dma_start3A_468 = arith.constant 0 : i32
        %dma_start3A_469 = tpu.memref_slice %arg13[%dma_start3A_467, %dma_start3A_468] : memref<10008x128xbf16, #tpu.memory_space<vmem_shared>> -> memref<10008x128xbf16, #tpu.memory_space<vmem_shared>>
        tpu.enqueue_indirect_dma source(%arg9 : memref<256x128xbf16, #tpu.memory_space<vmem>>) target(%dma_start3A_469 : memref<10008x128xbf16, #tpu.memory_space<vmem_shared>>) offsets(%dma_start3A_466 : memref<256xi32, #tpu.memory_space<vmem>>) semaphore(%arg20 : memref<!tpu.dma_semaphore, #tpu.memory_space<semaphore_mem>>) {add = true}
      } else {
      }
      %add3A_307 = arith.constant 5 : i32
      %add3A_308 = arith.addi %add3A_301, %add3A_307 : i32
      %lt3A_309 = arith.constant 40 : i32
      %lt3A_310 = arith.cmpi slt, %add3A_308, %lt3A_309 : i32
      %convert_element_type3A_311 = arith.extui %lt3A_310 : i1 to i32
      %cond3A_312 = arith.constant 0 : i32
      %cond3A_313 = arith.cmpi ne, %convert_element_type3A_311, %cond3A_312 : i32
      scf.if %cond3A_313 {
        %add3A_442 = arith.addi %mul3A_0, %add3A_301 : i32
        %add3A_443 = arith.constant 5 : i32
        %add3A_444 = arith.addi %add3A_442, %add3A_443 : i32
        %dma_start3A_445 = arith.constant 1 : i32
        %dma_start3A_446 = arith.constant 0 : i32
        %dma_start3A_447 = tpu.memref_slice %arg7[%dma_start3A_445, %dma_start3A_446] : memref<5x256xi32, #tpu.memory_space<vmem>> -> memref<1x256xi32, #tpu.memory_space<vmem>>
        %dma_start3A_448 = tpu.memref_squeeze %dma_start3A_447 : memref<1x256xi32, #tpu.memory_space<vmem>> -> memref<256xi32, #tpu.memory_space<vmem>>
        %dma_start3A_449 = arith.constant 0 : i32
        %dma_start3A_450 = tpu.memref_slice %arg4[%arg0, %add3A_444, %dma_start3A_449] : memref<2x640x256xi32, #tpu.memory_space<hbm>> -> memref<1x1x256xi32, #tpu.memory_space<hbm>>
        %dma_start3A_451 = tpu.memref_squeeze %dma_start3A_450 : memref<1x1x256xi32, #tpu.memory_space<hbm>> -> memref<256xi32, #tpu.memory_space<hbm>>
        %dma_start3A_452 = arith.constant 0 : i32
        %dma_start3A_453 = tpu.memref_slice %arg7[%dma_start3A_445, %dma_start3A_452] : memref<5x256xi32, #tpu.memory_space<vmem>> -> memref<1x256xi32, #tpu.memory_space<vmem>>
        %dma_start3A_454 = tpu.memref_squeeze %dma_start3A_453 : memref<1x256xi32, #tpu.memory_space<vmem>> -> memref<256xi32, #tpu.memory_space<vmem>>
        %dma_start3A_455 = arith.constant 0 : i32
        %dma_start3A_456 = tpu.memref_slice %arg4[%arg0, %add3A_444, %dma_start3A_455] : memref<2x640x256xi32, #tpu.memory_space<hbm>> -> memref<1x1x256xi32, #tpu.memory_space<hbm>>
        %dma_start3A_457 = tpu.memref_squeeze %dma_start3A_456 : memref<1x1x256xi32, #tpu.memory_space<hbm>> -> memref<256xi32, #tpu.memory_space<hbm>>
        tpu.enqueue_dma source(%dma_start3A_457 : memref<256xi32, #tpu.memory_space<hbm>>) target(%dma_start3A_454 : memref<256xi32, #tpu.memory_space<vmem>>) target_semaphore(%arg30 : memref<!tpu.dma_semaphore, #tpu.memory_space<semaphore_mem>>)
      } else {
      }
      %mul3A_314 = arith.constant 5 : i32
      %mul3A_315 = arith.muli %scan3A_282, %mul3A_314 : i32
      %add3A_316 = arith.constant 2 : i32
      %add3A_317 = arith.addi %mul3A_315, %add3A_316 : i32
      %lt3A_318 = arith.constant 40 : i32
      %lt3A_319 = arith.cmpi slt, %add3A_317, %lt3A_318 : i32
      %convert_element_type3A_320 = arith.extui %lt3A_319 : i1 to i32
      %cond3A_321 = arith.constant 0 : i32
      %cond3A_322 = arith.cmpi ne, %convert_element_type3A_320, %cond3A_321 : i32
      scf.if %cond3A_322 {
        %dma_wait3A_442 = arith.constant 2 : i32
        %dma_wait3A_443 = arith.constant 0 : i32
        %dma_wait3A_444 = tpu.memref_slice %arg7[%dma_wait3A_442, %dma_wait3A_443] : memref<5x256xi32, #tpu.memory_space<vmem>> -> memref<1x256xi32, #tpu.memory_space<vmem>>
        %dma_wait3A_445 = tpu.memref_squeeze %dma_wait3A_444 : memref<1x256xi32, #tpu.memory_space<vmem>> -> memref<256xi32, #tpu.memory_space<vmem>>
        %dma_wait3A_446 = arith.constant 0 : i32
        %dma_wait3A_447 = arith.constant 0 : i32
        %dma_wait3A_448 = tpu.memref_slice %arg2[%dma_wait3A_446, %dma_wait3A_447] : memref<20000x128xbf16, #tpu.memory_space<hbm>> -> memref<20000x128xbf16, #tpu.memory_space<hbm>>
        tpu.wait_indirect_dma semaphore(%arg16 : memref<!tpu.dma_semaphore, #tpu.memory_space<semaphore_mem>>) src(%dma_wait3A_448 : memref<20000x128xbf16, #tpu.memory_space<hbm>>) dst(%arg10 : memref<256x128xbf16, #tpu.memory_space<vmem>>)
        %add3A_449 = arith.addi %mul3A_0, %add3A_317 : i32
        %dma_wait3A_450 = arith.constant 2 : i32
        %dma_wait3A_451 = arith.constant 0 : i32
        %dma_wait3A_452 = tpu.memref_slice %arg6[%dma_wait3A_450, %dma_wait3A_451] : memref<5x256xi32, #tpu.memory_space<vmem>> -> memref<1x256xi32, #tpu.memory_space<vmem>>
        %dma_wait3A_453 = tpu.memref_squeeze %dma_wait3A_452 : memref<1x256xi32, #tpu.memory_space<vmem>> -> memref<256xi32, #tpu.memory_space<vmem>>
        %dma_wait3A_454 = arith.constant 0 : i32
        %dma_wait3A_455 = tpu.memref_slice %arg3[%add3A_449, %dma_wait3A_454] : memref<640x256xi32, #tpu.memory_space<hbm>> -> memref<1x256xi32, #tpu.memory_space<hbm>>
        %dma_wait3A_456 = tpu.memref_squeeze %dma_wait3A_455 : memref<1x256xi32, #tpu.memory_space<hbm>> -> memref<256xi32, #tpu.memory_space<hbm>>
        %dma_wait3A_457 = arith.constant 0 : i32
        %dma_wait3A_458 = tpu.memref_slice %arg6[%dma_wait3A_450, %dma_wait3A_457] : memref<5x256xi32, #tpu.memory_space<vmem>> -> memref<1x256xi32, #tpu.memory_space<vmem>>
        %dma_wait3A_459 = tpu.memref_squeeze %dma_wait3A_458 : memref<1x256xi32, #tpu.memory_space<vmem>> -> memref<256xi32, #tpu.memory_space<vmem>>
        %dma_wait3A_460 = arith.constant 0 : i32
        %dma_wait3A_461 = tpu.memref_slice %arg3[%add3A_449, %dma_wait3A_460] : memref<640x256xi32, #tpu.memory_space<hbm>> -> memref<1x256xi32, #tpu.memory_space<hbm>>
        %dma_wait3A_462 = tpu.memref_squeeze %dma_wait3A_461 : memref<1x256xi32, #tpu.memory_space<hbm>> -> memref<256xi32, #tpu.memory_space<hbm>>
        tpu.wait_dma2 semaphore(%arg26 : memref<!tpu.dma_semaphore, #tpu.memory_space<semaphore_mem>>) src(%dma_wait3A_462 : memref<256xi32, #tpu.memory_space<hbm>>) dst(%dma_wait3A_459 : memref<256xi32, #tpu.memory_space<vmem>>)
        %dma_start3A_463 = arith.constant 2 : i32
        %dma_start3A_464 = arith.constant 0 : i32
        %dma_start3A_465 = tpu.memref_slice %arg6[%dma_start3A_463, %dma_start3A_464] : memref<5x256xi32, #tpu.memory_space<vmem>> -> memref<1x256xi32, #tpu.memory_space<vmem>>
        %dma_start3A_466 = tpu.memref_squeeze %dma_start3A_465 : memref<1x256xi32, #tpu.memory_space<vmem>> -> memref<256xi32, #tpu.memory_space<vmem>>
        %dma_start3A_467 = arith.constant 0 : i32
        %dma_start3A_468 = arith.constant 0 : i32
        %dma_start3A_469 = tpu.memref_slice %arg13[%dma_start3A_467, %dma_start3A_468] : memref<10008x128xbf16, #tpu.memory_space<vmem_shared>> -> memref<10008x128xbf16, #tpu.memory_space<vmem_shared>>
        tpu.enqueue_indirect_dma source(%arg10 : memref<256x128xbf16, #tpu.memory_space<vmem>>) target(%dma_start3A_469 : memref<10008x128xbf16, #tpu.memory_space<vmem_shared>>) offsets(%dma_start3A_466 : memref<256xi32, #tpu.memory_space<vmem>>) semaphore(%arg21 : memref<!tpu.dma_semaphore, #tpu.memory_space<semaphore_mem>>) {add = true}
      } else {
      }
      %add3A_323 = arith.constant 5 : i32
      %add3A_324 = arith.addi %add3A_317, %add3A_323 : i32
      %lt3A_325 = arith.constant 40 : i32
      %lt3A_326 = arith.cmpi slt, %add3A_324, %lt3A_325 : i32
      %convert_element_type3A_327 = arith.extui %lt3A_326 : i1 to i32
      %cond3A_328 = arith.constant 0 : i32
      %cond3A_329 = arith.cmpi ne, %convert_element_type3A_327, %cond3A_328 : i32
      scf.if %cond3A_329 {
        %add3A_442 = arith.addi %mul3A_0, %add3A_317 : i32
        %add3A_443 = arith.constant 5 : i32
        %add3A_444 = arith.addi %add3A_442, %add3A_443 : i32
        %dma_start3A_445 = arith.constant 2 : i32
        %dma_start3A_446 = arith.constant 0 : i32
        %dma_start3A_447 = tpu.memref_slice %arg7[%dma_start3A_445, %dma_start3A_446] : memref<5x256xi32, #tpu.memory_space<vmem>> -> memref<1x256xi32, #tpu.memory_space<vmem>>
        %dma_start3A_448 = tpu.memref_squeeze %dma_start3A_447 : memref<1x256xi32, #tpu.memory_space<vmem>> -> memref<256xi32, #tpu.memory_space<vmem>>
        %dma_start3A_449 = arith.constant 0 : i32
        %dma_start3A_450 = tpu.memref_slice %arg4[%arg0, %add3A_444, %dma_start3A_449] : memref<2x640x256xi32, #tpu.memory_space<hbm>> -> memref<1x1x256xi32, #tpu.memory_space<hbm>>
        %dma_start3A_451 = tpu.memref_squeeze %dma_start3A_450 : memref<1x1x256xi32, #tpu.memory_space<hbm>> -> memref<256xi32, #tpu.memory_space<hbm>>
        %dma_start3A_452 = arith.constant 0 : i32
        %dma_start3A_453 = tpu.memref_slice %arg7[%dma_start3A_445, %dma_start3A_452] : memref<5x256xi32, #tpu.memory_space<vmem>> -> memref<1x256xi32, #tpu.memory_space<vmem>>
        %dma_start3A_454 = tpu.memref_squeeze %dma_start3A_453 : memref<1x256xi32, #tpu.memory_space<vmem>> -> memref<256xi32, #tpu.memory_space<vmem>>
        %dma_start3A_455 = arith.constant 0 : i32
        %dma_start3A_456 = tpu.memref_slice %arg4[%arg0, %add3A_444, %dma_start3A_455] : memref<2x640x256xi32, #tpu.memory_space<hbm>> -> memref<1x1x256xi32, #tpu.memory_space<hbm>>
        %dma_start3A_457 = tpu.memref_squeeze %dma_start3A_456 : memref<1x1x256xi32, #tpu.memory_space<hbm>> -> memref<256xi32, #tpu.memory_space<hbm>>
        tpu.enqueue_dma source(%dma_start3A_457 : memref<256xi32, #tpu.memory_space<hbm>>) target(%dma_start3A_454 : memref<256xi32, #tpu.memory_space<vmem>>) target_semaphore(%arg31 : memref<!tpu.dma_semaphore, #tpu.memory_space<semaphore_mem>>)
      } else {
      }
      %mul3A_330 = arith.constant 5 : i32
      %mul3A_331 = arith.muli %scan3A_282, %mul3A_330 : i32
      %add3A_332 = arith.constant 3 : i32
      %add3A_333 = arith.addi %mul3A_331, %add3A_332 : i32
      %lt3A_334 = arith.constant 40 : i32
      %lt3A_335 = arith.cmpi slt, %add3A_333, %lt3A_334 : i32
      %convert_element_type3A_336 = arith.extui %lt3A_335 : i1 to i32
      %cond3A_337 = arith.constant 0 : i32
      %cond3A_338 = arith.cmpi ne, %convert_element_type3A_336, %cond3A_337 : i32
      scf.if %cond3A_338 {
        %dma_wait3A_442 = arith.constant 3 : i32
        %dma_wait3A_443 = arith.constant 0 : i32
        %dma_wait3A_444 = tpu.memref_slice %arg7[%dma_wait3A_442, %dma_wait3A_443] : memref<5x256xi32, #tpu.memory_space<vmem>> -> memref<1x256xi32, #tpu.memory_space<vmem>>
        %dma_wait3A_445 = tpu.memref_squeeze %dma_wait3A_444 : memref<1x256xi32, #tpu.memory_space<vmem>> -> memref<256xi32, #tpu.memory_space<vmem>>
        %dma_wait3A_446 = arith.constant 0 : i32
        %dma_wait3A_447 = arith.constant 0 : i32
        %dma_wait3A_448 = tpu.memref_slice %arg2[%dma_wait3A_446, %dma_wait3A_447] : memref<20000x128xbf16, #tpu.memory_space<hbm>> -> memref<20000x128xbf16, #tpu.memory_space<hbm>>
        tpu.wait_indirect_dma semaphore(%arg17 : memref<!tpu.dma_semaphore, #tpu.memory_space<semaphore_mem>>) src(%dma_wait3A_448 : memref<20000x128xbf16, #tpu.memory_space<hbm>>) dst(%arg11 : memref<256x128xbf16, #tpu.memory_space<vmem>>)
        %add3A_449 = arith.addi %mul3A_0, %add3A_333 : i32
        %dma_wait3A_450 = arith.constant 3 : i32
        %dma_wait3A_451 = arith.constant 0 : i32
        %dma_wait3A_452 = tpu.memref_slice %arg6[%dma_wait3A_450, %dma_wait3A_451] : memref<5x256xi32, #tpu.memory_space<vmem>> -> memref<1x256xi32, #tpu.memory_space<vmem>>
        %dma_wait3A_453 = tpu.memref_squeeze %dma_wait3A_452 : memref<1x256xi32, #tpu.memory_space<vmem>> -> memref<256xi32, #tpu.memory_space<vmem>>
        %dma_wait3A_454 = arith.constant 0 : i32
        %dma_wait3A_455 = tpu.memref_slice %arg3[%add3A_449, %dma_wait3A_454] : memref<640x256xi32, #tpu.memory_space<hbm>> -> memref<1x256xi32, #tpu.memory_space<hbm>>
        %dma_wait3A_456 = tpu.memref_squeeze %dma_wait3A_455 : memref<1x256xi32, #tpu.memory_space<hbm>> -> memref<256xi32, #tpu.memory_space<hbm>>
        %dma_wait3A_457 = arith.constant 0 : i32
        %dma_wait3A_458 = tpu.memref_slice %arg6[%dma_wait3A_450, %dma_wait3A_457] : memref<5x256xi32, #tpu.memory_space<vmem>> -> memref<1x256xi32, #tpu.memory_space<vmem>>
        %dma_wait3A_459 = tpu.memref_squeeze %dma_wait3A_458 : memref<1x256xi32, #tpu.memory_space<vmem>> -> memref<256xi32, #tpu.memory_space<vmem>>
        %dma_wait3A_460 = arith.constant 0 : i32
        %dma_wait3A_461 = tpu.memref_slice %arg3[%add3A_449, %dma_wait3A_460] : memref<640x256xi32, #tpu.memory_space<hbm>> -> memref<1x256xi32, #tpu.memory_space<hbm>>
        %dma_wait3A_462 = tpu.memref_squeeze %dma_wait3A_461 : memref<1x256xi32, #tpu.memory_space<hbm>> -> memref<256xi32, #tpu.memory_space<hbm>>
        tpu.wait_dma2 semaphore(%arg27 : memref<!tpu.dma_semaphore, #tpu.memory_space<semaphore_mem>>) src(%dma_wait3A_462 : memref<256xi32, #tpu.memory_space<hbm>>) dst(%dma_wait3A_459 : memref<256xi32, #tpu.memory_space<vmem>>)
        %dma_start3A_463 = arith.constant 3 : i32
        %dma_start3A_464 = arith.constant 0 : i32
        %dma_start3A_465 = tpu.memref_slice %arg6[%dma_start3A_463, %dma_start3A_464] : memref<5x256xi32, #tpu.memory_space<vmem>> -> memref<1x256xi32, #tpu.memory_space<vmem>>
        %dma_start3A_466 = tpu.memref_squeeze %dma_start3A_465 : memref<1x256xi32, #tpu.memory_space<vmem>> -> memref<256xi32, #tpu.memory_space<vmem>>
        %dma_start3A_467 = arith.constant 0 : i32
        %dma_start3A_468 = arith.constant 0 : i32
        %dma_start3A_469 = tpu.memref_slice %arg13[%dma_start3A_467, %dma_start3A_468] : memref<10008x128xbf16, #tpu.memory_space<vmem_shared>> -> memref<10008x128xbf16, #tpu.memory_space<vmem_shared>>
        tpu.enqueue_indirect_dma source(%arg11 : memref<256x128xbf16, #tpu.memory_space<vmem>>) target(%dma_start3A_469 : memref<10008x128xbf16, #tpu.memory_space<vmem_shared>>) offsets(%dma_start3A_466 : memref<256xi32, #tpu.memory_space<vmem>>) semaphore(%arg22 : memref<!tpu.dma_semaphore, #tpu.memory_space<semaphore_mem>>) {add = true}
      } else {
      }
      %add3A_339 = arith.constant 5 : i32
      %add3A_340 = arith.addi %add3A_333, %add3A_339 : i32
      %lt3A_341 = arith.constant 40 : i32
      %lt3A_342 = arith.cmpi slt, %add3A_340, %lt3A_341 : i32
      %convert_element_type3A_343 = arith.extui %lt3A_342 : i1 to i32
      %cond3A_344 = arith.constant 0 : i32
      %cond3A_345 = arith.cmpi ne, %convert_element_type3A_343, %cond3A_344 : i32
      scf.if %cond3A_345 {
        %add3A_442 = arith.addi %mul3A_0, %add3A_333 : i32
        %add3A_443 = arith.constant 5 : i32
        %add3A_444 = arith.addi %add3A_442, %add3A_443 : i32
        %dma_start3A_445 = arith.constant 3 : i32
        %dma_start3A_446 = arith.constant 0 : i32
        %dma_start3A_447 = tpu.memref_slice %arg7[%dma_start3A_445, %dma_start3A_446] : memref<5x256xi32, #tpu.memory_space<vmem>> -> memref<1x256xi32, #tpu.memory_space<vmem>>
        %dma_start3A_448 = tpu.memref_squeeze %dma_start3A_447 : memref<1x256xi32, #tpu.memory_space<vmem>> -> memref<256xi32, #tpu.memory_space<vmem>>
        %dma_start3A_449 = arith.constant 0 : i32
        %dma_start3A_450 = tpu.memref_slice %arg4[%arg0, %add3A_444, %dma_start3A_449] : memref<2x640x256xi32, #tpu.memory_space<hbm>> -> memref<1x1x256xi32, #tpu.memory_space<hbm>>
        %dma_start3A_451 = tpu.memref_squeeze %dma_start3A_450 : memref<1x1x256xi32, #tpu.memory_space<hbm>> -> memref<256xi32, #tpu.memory_space<hbm>>
        %dma_start3A_452 = arith.constant 0 : i32
        %dma_start3A_453 = tpu.memref_slice %arg7[%dma_start3A_445, %dma_start3A_452] : memref<5x256xi32, #tpu.memory_space<vmem>> -> memref<1x256xi32, #tpu.memory_space<vmem>>
        %dma_start3A_454 = tpu.memref_squeeze %dma_start3A_453 : memref<1x256xi32, #tpu.memory_space<vmem>> -> memref<256xi32, #tpu.memory_space<vmem>>
        %dma_start3A_455 = arith.constant 0 : i32
        %dma_start3A_456 = tpu.memref_slice %arg4[%arg0, %add3A_444, %dma_start3A_455] : memref<2x640x256xi32, #tpu.memory_space<hbm>> -> memref<1x1x256xi32, #tpu.memory_space<hbm>>
        %dma_start3A_457 = tpu.memref_squeeze %dma_start3A_456 : memref<1x1x256xi32, #tpu.memory_space<hbm>> -> memref<256xi32, #tpu.memory_space<hbm>>
        tpu.enqueue_dma source(%dma_start3A_457 : memref<256xi32, #tpu.memory_space<hbm>>) target(%dma_start3A_454 : memref<256xi32, #tpu.memory_space<vmem>>) target_semaphore(%arg32 : memref<!tpu.dma_semaphore, #tpu.memory_space<semaphore_mem>>)
      } else {
      }
      %mul3A_346 = arith.constant 5 : i32
      %mul3A_347 = arith.muli %scan3A_282, %mul3A_346 : i32
      %add3A_348 = arith.constant 4 : i32
      %add3A_349 = arith.addi %mul3A_347, %add3A_348 : i32
      %lt3A_350 = arith.constant 40 : i32
      %lt3A_351 = arith.cmpi slt, %add3A_349, %lt3A_350 : i32
      %convert_element_type3A_352 = arith.extui %lt3A_351 : i1 to i32
      %cond3A_353 = arith.constant 0 : i32
      %cond3A_354 = arith.cmpi ne, %convert_element_type3A_352, %cond3A_353 : i32
      scf.if %cond3A_354 {
        %dma_wait3A_442 = arith.constant 4 : i32
        %dma_wait3A_443 = arith.constant 0 : i32
        %dma_wait3A_444 = tpu.memref_slice %arg7[%dma_wait3A_442, %dma_wait3A_443] : memref<5x256xi32, #tpu.memory_space<vmem>> -> memref<1x256xi32, #tpu.memory_space<vmem>>
        %dma_wait3A_445 = tpu.memref_squeeze %dma_wait3A_444 : memref<1x256xi32, #tpu.memory_space<vmem>> -> memref<256xi32, #tpu.memory_space<vmem>>
        %dma_wait3A_446 = arith.constant 0 : i32
        %dma_wait3A_447 = arith.constant 0 : i32
        %dma_wait3A_448 = tpu.memref_slice %arg2[%dma_wait3A_446, %dma_wait3A_447] : memref<20000x128xbf16, #tpu.memory_space<hbm>> -> memref<20000x128xbf16, #tpu.memory_space<hbm>>
        tpu.wait_indirect_dma semaphore(%arg18 : memref<!tpu.dma_semaphore, #tpu.memory_space<semaphore_mem>>) src(%dma_wait3A_448 : memref<20000x128xbf16, #tpu.memory_space<hbm>>) dst(%arg12 : memref<256x128xbf16, #tpu.memory_space<vmem>>)
        %add3A_449 = arith.addi %mul3A_0, %add3A_349 : i32
        %dma_wait3A_450 = arith.constant 4 : i32
        %dma_wait3A_451 = arith.constant 0 : i32
        %dma_wait3A_452 = tpu.memref_slice %arg6[%dma_wait3A_450, %dma_wait3A_451] : memref<5x256xi32, #tpu.memory_space<vmem>> -> memref<1x256xi32, #tpu.memory_space<vmem>>
        %dma_wait3A_453 = tpu.memref_squeeze %dma_wait3A_452 : memref<1x256xi32, #tpu.memory_space<vmem>> -> memref<256xi32, #tpu.memory_space<vmem>>
        %dma_wait3A_454 = arith.constant 0 : i32
        %dma_wait3A_455 = tpu.memref_slice %arg3[%add3A_449, %dma_wait3A_454] : memref<640x256xi32, #tpu.memory_space<hbm>> -> memref<1x256xi32, #tpu.memory_space<hbm>>
        %dma_wait3A_456 = tpu.memref_squeeze %dma_wait3A_455 : memref<1x256xi32, #tpu.memory_space<hbm>> -> memref<256xi32, #tpu.memory_space<hbm>>
        %dma_wait3A_457 = arith.constant 0 : i32
        %dma_wait3A_458 = tpu.memref_slice %arg6[%dma_wait3A_450, %dma_wait3A_457] : memref<5x256xi32, #tpu.memory_space<vmem>> -> memref<1x256xi32, #tpu.memory_space<vmem>>
        %dma_wait3A_459 = tpu.memref_squeeze %dma_wait3A_458 : memref<1x256xi32, #tpu.memory_space<vmem>> -> memref<256xi32, #tpu.memory_space<vmem>>
        %dma_wait3A_460 = arith.constant 0 : i32
        %dma_wait3A_461 = tpu.memref_slice %arg3[%add3A_449, %dma_wait3A_460] : memref<640x256xi32, #tpu.memory_space<hbm>> -> memref<1x256xi32, #tpu.memory_space<hbm>>
        %dma_wait3A_462 = tpu.memref_squeeze %dma_wait3A_461 : memref<1x256xi32, #tpu.memory_space<hbm>> -> memref<256xi32, #tpu.memory_space<hbm>>
        tpu.wait_dma2 semaphore(%arg28 : memref<!tpu.dma_semaphore, #tpu.memory_space<semaphore_mem>>) src(%dma_wait3A_462 : memref<256xi32, #tpu.memory_space<hbm>>) dst(%dma_wait3A_459 : memref<256xi32, #tpu.memory_space<vmem>>)
        %dma_start3A_463 = arith.constant 4 : i32
        %dma_start3A_464 = arith.constant 0 : i32
        %dma_start3A_465 = tpu.memref_slice %arg6[%dma_start3A_463, %dma_start3A_464] : memref<5x256xi32, #tpu.memory_space<vmem>> -> memref<1x256xi32, #tpu.memory_space<vmem>>
        %dma_start3A_466 = tpu.memref_squeeze %dma_start3A_465 : memref<1x256xi32, #tpu.memory_space<vmem>> -> memref<256xi32, #tpu.memory_space<vmem>>
        %dma_start3A_467 = arith.constant 0 : i32
        %dma_start3A_468 = arith.constant 0 : i32
        %dma_start3A_469 = tpu.memref_slice %arg13[%dma_start3A_467, %dma_start3A_468] : memref<10008x128xbf16, #tpu.memory_space<vmem_shared>> -> memref<10008x128xbf16, #tpu.memory_space<vmem_shared>>
        tpu.enqueue_indirect_dma source(%arg12 : memref<256x128xbf16, #tpu.memory_space<vmem>>) target(%dma_start3A_469 : memref<10008x128xbf16, #tpu.memory_space<vmem_shared>>) offsets(%dma_start3A_466 : memref<256xi32, #tpu.memory_space<vmem>>) semaphore(%arg23 : memref<!tpu.dma_semaphore, #tpu.memory_space<semaphore_mem>>) {add = true}
      } else {
      }
      %add3A_355 = arith.constant 5 : i32
      %add3A_356 = arith.addi %add3A_349, %add3A_355 : i32
      %lt3A_357 = arith.constant 40 : i32
      %lt3A_358 = arith.cmpi slt, %add3A_356, %lt3A_357 : i32
      %convert_element_type3A_359 = arith.extui %lt3A_358 : i1 to i32
      %cond3A_360 = arith.constant 0 : i32
      %cond3A_361 = arith.cmpi ne, %convert_element_type3A_359, %cond3A_360 : i32
      scf.if %cond3A_361 {
        %add3A_442 = arith.addi %mul3A_0, %add3A_349 : i32
        %add3A_443 = arith.constant 5 : i32
        %add3A_444 = arith.addi %add3A_442, %add3A_443 : i32
        %dma_start3A_445 = arith.constant 4 : i32
        %dma_start3A_446 = arith.constant 0 : i32
        %dma_start3A_447 = tpu.memref_slice %arg7[%dma_start3A_445, %dma_start3A_446] : memref<5x256xi32, #tpu.memory_space<vmem>> -> memref<1x256xi32, #tpu.memory_space<vmem>>
        %dma_start3A_448 = tpu.memref_squeeze %dma_start3A_447 : memref<1x256xi32, #tpu.memory_space<vmem>> -> memref<256xi32, #tpu.memory_space<vmem>>
        %dma_start3A_449 = arith.constant 0 : i32
        %dma_start3A_450 = tpu.memref_slice %arg4[%arg0, %add3A_444, %dma_start3A_449] : memref<2x640x256xi32, #tpu.memory_space<hbm>> -> memref<1x1x256xi32, #tpu.memory_space<hbm>>
        %dma_start3A_451 = tpu.memref_squeeze %dma_start3A_450 : memref<1x1x256xi32, #tpu.memory_space<hbm>> -> memref<256xi32, #tpu.memory_space<hbm>>
        %dma_start3A_452 = arith.constant 0 : i32
        %dma_start3A_453 = tpu.memref_slice %arg7[%dma_start3A_445, %dma_start3A_452] : memref<5x256xi32, #tpu.memory_space<vmem>> -> memref<1x256xi32, #tpu.memory_space<vmem>>
        %dma_start3A_454 = tpu.memref_squeeze %dma_start3A_453 : memref<1x256xi32, #tpu.memory_space<vmem>> -> memref<256xi32, #tpu.memory_space<vmem>>
        %dma_start3A_455 = arith.constant 0 : i32
        %dma_start3A_456 = tpu.memref_slice %arg4[%arg0, %add3A_444, %dma_start3A_455] : memref<2x640x256xi32, #tpu.memory_space<hbm>> -> memref<1x1x256xi32, #tpu.memory_space<hbm>>
        %dma_start3A_457 = tpu.memref_squeeze %dma_start3A_456 : memref<1x1x256xi32, #tpu.memory_space<hbm>> -> memref<256xi32, #tpu.memory_space<hbm>>
        tpu.enqueue_dma source(%dma_start3A_457 : memref<256xi32, #tpu.memory_space<hbm>>) target(%dma_start3A_454 : memref<256xi32, #tpu.memory_space<vmem>>) target_semaphore(%arg33 : memref<!tpu.dma_semaphore, #tpu.memory_space<semaphore_mem>>)
      } else {
      }
      %mul3A_362 = arith.constant 5 : i32
      %mul3A_363 = arith.muli %scan3A_282, %mul3A_362 : i32
      %add3A_364 = arith.constant 0 : i32
      %add3A_365 = arith.addi %mul3A_363, %add3A_364 : i32
      %lt3A_366 = arith.constant 40 : i32
      %lt3A_367 = arith.cmpi slt, %add3A_365, %lt3A_366 : i32
      %convert_element_type3A_368 = arith.extui %lt3A_367 : i1 to i32
      %cond3A_369 = arith.constant 0 : i32
      %cond3A_370 = arith.cmpi ne, %convert_element_type3A_368, %cond3A_369 : i32
      scf.if %cond3A_370 {
        %dma_wait3A_442 = arith.constant 0 : i32
        %dma_wait3A_443 = arith.constant 0 : i32
        %dma_wait3A_444 = tpu.memref_slice %arg6[%dma_wait3A_442, %dma_wait3A_443] : memref<5x256xi32, #tpu.memory_space<vmem>> -> memref<1x256xi32, #tpu.memory_space<vmem>>
        %dma_wait3A_445 = tpu.memref_squeeze %dma_wait3A_444 : memref<1x256xi32, #tpu.memory_space<vmem>> -> memref<256xi32, #tpu.memory_space<vmem>>
        %dma_wait3A_446 = arith.constant 0 : i32
        %dma_wait3A_447 = arith.constant 0 : i32
        %dma_wait3A_448 = tpu.memref_slice %arg13[%dma_wait3A_446, %dma_wait3A_447] : memref<10008x128xbf16, #tpu.memory_space<vmem_shared>> -> memref<10008x128xbf16, #tpu.memory_space<vmem_shared>>
        tpu.wait_indirect_dma semaphore(%arg19 : memref<!tpu.dma_semaphore, #tpu.memory_space<semaphore_mem>>) src(%arg8 : memref<256x128xbf16, #tpu.memory_space<vmem>>) dst(%dma_wait3A_448 : memref<10008x128xbf16, #tpu.memory_space<vmem_shared>>)
      } else {
      }
      %add3A_371 = arith.constant 5 : i32
      %add3A_372 = arith.addi %add3A_365, %add3A_371 : i32
      %lt3A_373 = arith.constant 40 : i32
      %lt3A_374 = arith.cmpi slt, %add3A_372, %lt3A_373 : i32
      %convert_element_type3A_375 = arith.extui %lt3A_374 : i1 to i32
      %cond3A_376 = arith.constant 0 : i32
      %cond3A_377 = arith.cmpi ne, %convert_element_type3A_375, %cond3A_376 : i32
      scf.if %cond3A_377 {
        %add3A_442 = arith.addi %mul3A_0, %add3A_365 : i32
        %add3A_443 = arith.constant 5 : i32
        %add3A_444 = arith.addi %add3A_442, %add3A_443 : i32
        %dma_start3A_445 = arith.constant 0 : i32
        %dma_start3A_446 = arith.constant 0 : i32
        %dma_start3A_447 = tpu.memref_slice %arg6[%dma_start3A_445, %dma_start3A_446] : memref<5x256xi32, #tpu.memory_space<vmem>> -> memref<1x256xi32, #tpu.memory_space<vmem>>
        %dma_start3A_448 = tpu.memref_squeeze %dma_start3A_447 : memref<1x256xi32, #tpu.memory_space<vmem>> -> memref<256xi32, #tpu.memory_space<vmem>>
        %dma_start3A_449 = arith.constant 0 : i32
        %dma_start3A_450 = tpu.memref_slice %arg3[%add3A_444, %dma_start3A_449] : memref<640x256xi32, #tpu.memory_space<hbm>> -> memref<1x256xi32, #tpu.memory_space<hbm>>
        %dma_start3A_451 = tpu.memref_squeeze %dma_start3A_450 : memref<1x256xi32, #tpu.memory_space<hbm>> -> memref<256xi32, #tpu.memory_space<hbm>>
        %dma_start3A_452 = arith.constant 0 : i32
        %dma_start3A_453 = tpu.memref_slice %arg6[%dma_start3A_445, %dma_start3A_452] : memref<5x256xi32, #tpu.memory_space<vmem>> -> memref<1x256xi32, #tpu.memory_space<vmem>>
        %dma_start3A_454 = tpu.memref_squeeze %dma_start3A_453 : memref<1x256xi32, #tpu.memory_space<vmem>> -> memref<256xi32, #tpu.memory_space<vmem>>
        %dma_start3A_455 = arith.constant 0 : i32
        %dma_start3A_456 = tpu.memref_slice %arg3[%add3A_444, %dma_start3A_455] : memref<640x256xi32, #tpu.memory_space<hbm>> -> memref<1x256xi32, #tpu.memory_space<hbm>>
        %dma_start3A_457 = tpu.memref_squeeze %dma_start3A_456 : memref<1x256xi32, #tpu.memory_space<hbm>> -> memref<256xi32, #tpu.memory_space<hbm>>
        tpu.enqueue_dma source(%dma_start3A_457 : memref<256xi32, #tpu.memory_space<hbm>>) target(%dma_start3A_454 : memref<256xi32, #tpu.memory_space<vmem>>) target_semaphore(%arg24 : memref<!tpu.dma_semaphore, #tpu.memory_space<semaphore_mem>>)
        %add3A_458 = arith.addi %mul3A_0, %add3A_365 : i32
        %add3A_459 = arith.constant 5 : i32
        %add3A_460 = arith.addi %add3A_458, %add3A_459 : i32
        %dma_wait3A_461 = arith.constant 0 : i32
        %dma_wait3A_462 = arith.constant 0 : i32
        %dma_wait3A_463 = tpu.memref_slice %arg7[%dma_wait3A_461, %dma_wait3A_462] : memref<5x256xi32, #tpu.memory_space<vmem>> -> memref<1x256xi32, #tpu.memory_space<vmem>>
        %dma_wait3A_464 = tpu.memref_squeeze %dma_wait3A_463 : memref<1x256xi32, #tpu.memory_space<vmem>> -> memref<256xi32, #tpu.memory_space<vmem>>
        %dma_wait3A_465 = arith.constant 0 : i32
        %dma_wait3A_466 = tpu.memref_slice %arg4[%arg0, %add3A_460, %dma_wait3A_465] : memref<2x640x256xi32, #tpu.memory_space<hbm>> -> memref<1x1x256xi32, #tpu.memory_space<hbm>>
        %dma_wait3A_467 = tpu.memref_squeeze %dma_wait3A_466 : memref<1x1x256xi32, #tpu.memory_space<hbm>> -> memref<256xi32, #tpu.memory_space<hbm>>
        %dma_wait3A_468 = arith.constant 0 : i32
        %dma_wait3A_469 = tpu.memref_slice %arg7[%dma_wait3A_461, %dma_wait3A_468] : memref<5x256xi32, #tpu.memory_space<vmem>> -> memref<1x256xi32, #tpu.memory_space<vmem>>
        %dma_wait3A_470 = tpu.memref_squeeze %dma_wait3A_469 : memref<1x256xi32, #tpu.memory_space<vmem>> -> memref<256xi32, #tpu.memory_space<vmem>>
        %dma_wait3A_471 = arith.constant 0 : i32
        %dma_wait3A_472 = tpu.memref_slice %arg4[%arg0, %add3A_460, %dma_wait3A_471] : memref<2x640x256xi32, #tpu.memory_space<hbm>> -> memref<1x1x256xi32, #tpu.memory_space<hbm>>
        %dma_wait3A_473 = tpu.memref_squeeze %dma_wait3A_472 : memref<1x1x256xi32, #tpu.memory_space<hbm>> -> memref<256xi32, #tpu.memory_space<hbm>>
        tpu.wait_dma2 semaphore(%arg29 : memref<!tpu.dma_semaphore, #tpu.memory_space<semaphore_mem>>) src(%dma_wait3A_473 : memref<256xi32, #tpu.memory_space<hbm>>) dst(%dma_wait3A_470 : memref<256xi32, #tpu.memory_space<vmem>>)
        %dma_start3A_474 = arith.constant 0 : i32
        %dma_start3A_475 = arith.constant 0 : i32
        %dma_start3A_476 = tpu.memref_slice %arg7[%dma_start3A_474, %dma_start3A_475] : memref<5x256xi32, #tpu.memory_space<vmem>> -> memref<1x256xi32, #tpu.memory_space<vmem>>
        %dma_start3A_477 = tpu.memref_squeeze %dma_start3A_476 : memref<1x256xi32, #tpu.memory_space<vmem>> -> memref<256xi32, #tpu.memory_space<vmem>>
        %dma_start3A_478 = arith.constant 0 : i32
        %dma_start3A_479 = arith.constant 0 : i32
        %dma_start3A_480 = tpu.memref_slice %arg2[%dma_start3A_478, %dma_start3A_479] : memref<20000x128xbf16, #tpu.memory_space<hbm>> -> memref<20000x128xbf16, #tpu.memory_space<hbm>>
        tpu.enqueue_indirect_dma source(%dma_start3A_480 : memref<20000x128xbf16, #tpu.memory_space<hbm>>) target(%arg8 : memref<256x128xbf16, #tpu.memory_space<vmem>>) offsets(%dma_start3A_477 : memref<256xi32, #tpu.memory_space<vmem>>) semaphore(%arg14 : memref<!tpu.dma_semaphore, #tpu.memory_space<semaphore_mem>>)
      } else {
      }
      %mul3A_378 = arith.constant 5 : i32
      %mul3A_379 = arith.muli %scan3A_282, %mul3A_378 : i32
      %add3A_380 = arith.constant 1 : i32
      %add3A_381 = arith.addi %mul3A_379, %add3A_380 : i32
      %lt3A_382 = arith.constant 40 : i32
      %lt3A_383 = arith.cmpi slt, %add3A_381, %lt3A_382 : i32
      %convert_element_type3A_384 = arith.extui %lt3A_383 : i1 to i32
      %cond3A_385 = arith.constant 0 : i32
      %cond3A_386 = arith.cmpi ne, %convert_element_type3A_384, %cond3A_385 : i32
      scf.if %cond3A_386 {
        %dma_wait3A_442 = arith.constant 1 : i32
        %dma_wait3A_443 = arith.constant 0 : i32
        %dma_wait3A_444 = tpu.memref_slice %arg6[%dma_wait3A_442, %dma_wait3A_443] : memref<5x256xi32, #tpu.memory_space<vmem>> -> memref<1x256xi32, #tpu.memory_space<vmem>>
        %dma_wait3A_445 = tpu.memref_squeeze %dma_wait3A_444 : memref<1x256xi32, #tpu.memory_space<vmem>> -> memref<256xi32, #tpu.memory_space<vmem>>
        %dma_wait3A_446 = arith.constant 0 : i32
        %dma_wait3A_447 = arith.constant 0 : i32
        %dma_wait3A_448 = tpu.memref_slice %arg13[%dma_wait3A_446, %dma_wait3A_447] : memref<10008x128xbf16, #tpu.memory_space<vmem_shared>> -> memref<10008x128xbf16, #tpu.memory_space<vmem_shared>>
        tpu.wait_indirect_dma semaphore(%arg20 : memref<!tpu.dma_semaphore, #tpu.memory_space<semaphore_mem>>) src(%arg9 : memref<256x128xbf16, #tpu.memory_space<vmem>>) dst(%dma_wait3A_448 : memref<10008x128xbf16, #tpu.memory_space<vmem_shared>>)
      } else {
      }
      %add3A_387 = arith.constant 5 : i32
      %add3A_388 = arith.addi %add3A_381, %add3A_387 : i32
      %lt3A_389 = arith.constant 40 : i32
      %lt3A_390 = arith.cmpi slt, %add3A_388, %lt3A_389 : i32
      %convert_element_type3A_391 = arith.extui %lt3A_390 : i1 to i32
      %cond3A_392 = arith.constant 0 : i32
      %cond3A_393 = arith.cmpi ne, %convert_element_type3A_391, %cond3A_392 : i32
      scf.if %cond3A_393 {
        %add3A_442 = arith.addi %mul3A_0, %add3A_381 : i32
        %add3A_443 = arith.constant 5 : i32
        %add3A_444 = arith.addi %add3A_442, %add3A_443 : i32
        %dma_start3A_445 = arith.constant 1 : i32
        %dma_start3A_446 = arith.constant 0 : i32
        %dma_start3A_447 = tpu.memref_slice %arg6[%dma_start3A_445, %dma_start3A_446] : memref<5x256xi32, #tpu.memory_space<vmem>> -> memref<1x256xi32, #tpu.memory_space<vmem>>
        %dma_start3A_448 = tpu.memref_squeeze %dma_start3A_447 : memref<1x256xi32, #tpu.memory_space<vmem>> -> memref<256xi32, #tpu.memory_space<vmem>>
        %dma_start3A_449 = arith.constant 0 : i32
        %dma_start3A_450 = tpu.memref_slice %arg3[%add3A_444, %dma_start3A_449] : memref<640x256xi32, #tpu.memory_space<hbm>> -> memref<1x256xi32, #tpu.memory_space<hbm>>
        %dma_start3A_451 = tpu.memref_squeeze %dma_start3A_450 : memref<1x256xi32, #tpu.memory_space<hbm>> -> memref<256xi32, #tpu.memory_space<hbm>>
        %dma_start3A_452 = arith.constant 0 : i32
        %dma_start3A_453 = tpu.memref_slice %arg6[%dma_start3A_445, %dma_start3A_452] : memref<5x256xi32, #tpu.memory_space<vmem>> -> memref<1x256xi32, #tpu.memory_space<vmem>>
        %dma_start3A_454 = tpu.memref_squeeze %dma_start3A_453 : memref<1x256xi32, #tpu.memory_space<vmem>> -> memref<256xi32, #tpu.memory_space<vmem>>
        %dma_start3A_455 = arith.constant 0 : i32
        %dma_start3A_456 = tpu.memref_slice %arg3[%add3A_444, %dma_start3A_455] : memref<640x256xi32, #tpu.memory_space<hbm>> -> memref<1x256xi32, #tpu.memory_space<hbm>>
        %dma_start3A_457 = tpu.memref_squeeze %dma_start3A_456 : memref<1x256xi32, #tpu.memory_space<hbm>> -> memref<256xi32, #tpu.memory_space<hbm>>
        tpu.enqueue_dma source(%dma_start3A_457 : memref<256xi32, #tpu.memory_space<hbm>>) target(%dma_start3A_454 : memref<256xi32, #tpu.memory_space<vmem>>) target_semaphore(%arg25 : memref<!tpu.dma_semaphore, #tpu.memory_space<semaphore_mem>>)
        %add3A_458 = arith.addi %mul3A_0, %add3A_381 : i32
        %add3A_459 = arith.constant 5 : i32
        %add3A_460 = arith.addi %add3A_458, %add3A_459 : i32
        %dma_wait3A_461 = arith.constant 1 : i32
        %dma_wait3A_462 = arith.constant 0 : i32
        %dma_wait3A_463 = tpu.memref_slice %arg7[%dma_wait3A_461, %dma_wait3A_462] : memref<5x256xi32, #tpu.memory_space<vmem>> -> memref<1x256xi32, #tpu.memory_space<vmem>>
        %dma_wait3A_464 = tpu.memref_squeeze %dma_wait3A_463 : memref<1x256xi32, #tpu.memory_space<vmem>> -> memref<256xi32, #tpu.memory_space<vmem>>
        %dma_wait3A_465 = arith.constant 0 : i32
        %dma_wait3A_466 = tpu.memref_slice %arg4[%arg0, %add3A_460, %dma_wait3A_465] : memref<2x640x256xi32, #tpu.memory_space<hbm>> -> memref<1x1x256xi32, #tpu.memory_space<hbm>>
        %dma_wait3A_467 = tpu.memref_squeeze %dma_wait3A_466 : memref<1x1x256xi32, #tpu.memory_space<hbm>> -> memref<256xi32, #tpu.memory_space<hbm>>
        %dma_wait3A_468 = arith.constant 0 : i32
        %dma_wait3A_469 = tpu.memref_slice %arg7[%dma_wait3A_461, %dma_wait3A_468] : memref<5x256xi32, #tpu.memory_space<vmem>> -> memref<1x256xi32, #tpu.memory_space<vmem>>
        %dma_wait3A_470 = tpu.memref_squeeze %dma_wait3A_469 : memref<1x256xi32, #tpu.memory_space<vmem>> -> memref<256xi32, #tpu.memory_space<vmem>>
        %dma_wait3A_471 = arith.constant 0 : i32
        %dma_wait3A_472 = tpu.memref_slice %arg4[%arg0, %add3A_460, %dma_wait3A_471] : memref<2x640x256xi32, #tpu.memory_space<hbm>> -> memref<1x1x256xi32, #tpu.memory_space<hbm>>
        %dma_wait3A_473 = tpu.memref_squeeze %dma_wait3A_472 : memref<1x1x256xi32, #tpu.memory_space<hbm>> -> memref<256xi32, #tpu.memory_space<hbm>>
        tpu.wait_dma2 semaphore(%arg30 : memref<!tpu.dma_semaphore, #tpu.memory_space<semaphore_mem>>) src(%dma_wait3A_473 : memref<256xi32, #tpu.memory_space<hbm>>) dst(%dma_wait3A_470 : memref<256xi32, #tpu.memory_space<vmem>>)
        %dma_start3A_474 = arith.constant 1 : i32
        %dma_start3A_475 = arith.constant 0 : i32
        %dma_start3A_476 = tpu.memref_slice %arg7[%dma_start3A_474, %dma_start3A_475] : memref<5x256xi32, #tpu.memory_space<vmem>> -> memref<1x256xi32, #tpu.memory_space<vmem>>
        %dma_start3A_477 = tpu.memref_squeeze %dma_start3A_476 : memref<1x256xi32, #tpu.memory_space<vmem>> -> memref<256xi32, #tpu.memory_space<vmem>>
        %dma_start3A_478 = arith.constant 0 : i32
        %dma_start3A_479 = arith.constant 0 : i32
        %dma_start3A_480 = tpu.memref_slice %arg2[%dma_start3A_478, %dma_start3A_479] : memref<20000x128xbf16, #tpu.memory_space<hbm>> -> memref<20000x128xbf16, #tpu.memory_space<hbm>>
        tpu.enqueue_indirect_dma source(%dma_start3A_480 : memref<20000x128xbf16, #tpu.memory_space<hbm>>) target(%arg9 : memref<256x128xbf16, #tpu.memory_space<vmem>>) offsets(%dma_start3A_477 : memref<256xi32, #tpu.memory_space<vmem>>) semaphore(%arg15 : memref<!tpu.dma_semaphore, #tpu.memory_space<semaphore_mem>>)
      } else {
      }
      %mul3A_394 = arith.constant 5 : i32
      %mul3A_395 = arith.muli %scan3A_282, %mul3A_394 : i32
      %add3A_396 = arith.constant 2 : i32
      %add3A_397 = arith.addi %mul3A_395, %add3A_396 : i32
      %lt3A_398 = arith.constant 40 : i32
      %lt3A_399 = arith.cmpi slt, %add3A_397, %lt3A_398 : i32
      %convert_element_type3A_400 = arith.extui %lt3A_399 : i1 to i32
      %cond3A_401 = arith.constant 0 : i32
      %cond3A_402 = arith.cmpi ne, %convert_element_type3A_400, %cond3A_401 : i32
      scf.if %cond3A_402 {
        %dma_wait3A_442 = arith.constant 2 : i32
        %dma_wait3A_443 = arith.constant 0 : i32
        %dma_wait3A_444 = tpu.memref_slice %arg6[%dma_wait3A_442, %dma_wait3A_443] : memref<5x256xi32, #tpu.memory_space<vmem>> -> memref<1x256xi32, #tpu.memory_space<vmem>>
        %dma_wait3A_445 = tpu.memref_squeeze %dma_wait3A_444 : memref<1x256xi32, #tpu.memory_space<vmem>> -> memref<256xi32, #tpu.memory_space<vmem>>
        %dma_wait3A_446 = arith.constant 0 : i32
        %dma_wait3A_447 = arith.constant 0 : i32
        %dma_wait3A_448 = tpu.memref_slice %arg13[%dma_wait3A_446, %dma_wait3A_447] : memref<10008x128xbf16, #tpu.memory_space<vmem_shared>> -> memref<10008x128xbf16, #tpu.memory_space<vmem_shared>>
        tpu.wait_indirect_dma semaphore(%arg21 : memref<!tpu.dma_semaphore, #tpu.memory_space<semaphore_mem>>) src(%arg10 : memref<256x128xbf16, #tpu.memory_space<vmem>>) dst(%dma_wait3A_448 : memref<10008x128xbf16, #tpu.memory_space<vmem_shared>>)
      } else {
      }
      %add3A_403 = arith.constant 5 : i32
      %add3A_404 = arith.addi %add3A_397, %add3A_403 : i32
      %lt3A_405 = arith.constant 40 : i32
      %lt3A_406 = arith.cmpi slt, %add3A_404, %lt3A_405 : i32
      %convert_element_type3A_407 = arith.extui %lt3A_406 : i1 to i32
      %cond3A_408 = arith.constant 0 : i32
      %cond3A_409 = arith.cmpi ne, %convert_element_type3A_407, %cond3A_408 : i32
      scf.if %cond3A_409 {
        %add3A_442 = arith.addi %mul3A_0, %add3A_397 : i32
        %add3A_443 = arith.constant 5 : i32
        %add3A_444 = arith.addi %add3A_442, %add3A_443 : i32
        %dma_start3A_445 = arith.constant 2 : i32
        %dma_start3A_446 = arith.constant 0 : i32
        %dma_start3A_447 = tpu.memref_slice %arg6[%dma_start3A_445, %dma_start3A_446] : memref<5x256xi32, #tpu.memory_space<vmem>> -> memref<1x256xi32, #tpu.memory_space<vmem>>
        %dma_start3A_448 = tpu.memref_squeeze %dma_start3A_447 : memref<1x256xi32, #tpu.memory_space<vmem>> -> memref<256xi32, #tpu.memory_space<vmem>>
        %dma_start3A_449 = arith.constant 0 : i32
        %dma_start3A_450 = tpu.memref_slice %arg3[%add3A_444, %dma_start3A_449] : memref<640x256xi32, #tpu.memory_space<hbm>> -> memref<1x256xi32, #tpu.memory_space<hbm>>
        %dma_start3A_451 = tpu.memref_squeeze %dma_start3A_450 : memref<1x256xi32, #tpu.memory_space<hbm>> -> memref<256xi32, #tpu.memory_space<hbm>>
        %dma_start3A_452 = arith.constant 0 : i32
        %dma_start3A_453 = tpu.memref_slice %arg6[%dma_start3A_445, %dma_start3A_452] : memref<5x256xi32, #tpu.memory_space<vmem>> -> memref<1x256xi32, #tpu.memory_space<vmem>>
        %dma_start3A_454 = tpu.memref_squeeze %dma_start3A_453 : memref<1x256xi32, #tpu.memory_space<vmem>> -> memref<256xi32, #tpu.memory_space<vmem>>
        %dma_start3A_455 = arith.constant 0 : i32
        %dma_start3A_456 = tpu.memref_slice %arg3[%add3A_444, %dma_start3A_455] : memref<640x256xi32, #tpu.memory_space<hbm>> -> memref<1x256xi32, #tpu.memory_space<hbm>>
        %dma_start3A_457 = tpu.memref_squeeze %dma_start3A_456 : memref<1x256xi32, #tpu.memory_space<hbm>> -> memref<256xi32, #tpu.memory_space<hbm>>
        tpu.enqueue_dma source(%dma_start3A_457 : memref<256xi32, #tpu.memory_space<hbm>>) target(%dma_start3A_454 : memref<256xi32, #tpu.memory_space<vmem>>) target_semaphore(%arg26 : memref<!tpu.dma_semaphore, #tpu.memory_space<semaphore_mem>>)
        %add3A_458 = arith.addi %mul3A_0, %add3A_397 : i32
        %add3A_459 = arith.constant 5 : i32
        %add3A_460 = arith.addi %add3A_458, %add3A_459 : i32
        %dma_wait3A_461 = arith.constant 2 : i32
        %dma_wait3A_462 = arith.constant 0 : i32
        %dma_wait3A_463 = tpu.memref_slice %arg7[%dma_wait3A_461, %dma_wait3A_462] : memref<5x256xi32, #tpu.memory_space<vmem>> -> memref<1x256xi32, #tpu.memory_space<vmem>>
        %dma_wait3A_464 = tpu.memref_squeeze %dma_wait3A_463 : memref<1x256xi32, #tpu.memory_space<vmem>> -> memref<256xi32, #tpu.memory_space<vmem>>
        %dma_wait3A_465 = arith.constant 0 : i32
        %dma_wait3A_466 = tpu.memref_slice %arg4[%arg0, %add3A_460, %dma_wait3A_465] : memref<2x640x256xi32, #tpu.memory_space<hbm>> -> memref<1x1x256xi32, #tpu.memory_space<hbm>>
        %dma_wait3A_467 = tpu.memref_squeeze %dma_wait3A_466 : memref<1x1x256xi32, #tpu.memory_space<hbm>> -> memref<256xi32, #tpu.memory_space<hbm>>
        %dma_wait3A_468 = arith.constant 0 : i32
        %dma_wait3A_469 = tpu.memref_slice %arg7[%dma_wait3A_461, %dma_wait3A_468] : memref<5x256xi32, #tpu.memory_space<vmem>> -> memref<1x256xi32, #tpu.memory_space<vmem>>
        %dma_wait3A_470 = tpu.memref_squeeze %dma_wait3A_469 : memref<1x256xi32, #tpu.memory_space<vmem>> -> memref<256xi32, #tpu.memory_space<vmem>>
        %dma_wait3A_471 = arith.constant 0 : i32
        %dma_wait3A_472 = tpu.memref_slice %arg4[%arg0, %add3A_460, %dma_wait3A_471] : memref<2x640x256xi32, #tpu.memory_space<hbm>> -> memref<1x1x256xi32, #tpu.memory_space<hbm>>
        %dma_wait3A_473 = tpu.memref_squeeze %dma_wait3A_472 : memref<1x1x256xi32, #tpu.memory_space<hbm>> -> memref<256xi32, #tpu.memory_space<hbm>>
        tpu.wait_dma2 semaphore(%arg31 : memref<!tpu.dma_semaphore, #tpu.memory_space<semaphore_mem>>) src(%dma_wait3A_473 : memref<256xi32, #tpu.memory_space<hbm>>) dst(%dma_wait3A_470 : memref<256xi32, #tpu.memory_space<vmem>>)
        %dma_start3A_474 = arith.constant 2 : i32
        %dma_start3A_475 = arith.constant 0 : i32
        %dma_start3A_476 = tpu.memref_slice %arg7[%dma_start3A_474, %dma_start3A_475] : memref<5x256xi32, #tpu.memory_space<vmem>> -> memref<1x256xi32, #tpu.memory_space<vmem>>
        %dma_start3A_477 = tpu.memref_squeeze %dma_start3A_476 : memref<1x256xi32, #tpu.memory_space<vmem>> -> memref<256xi32, #tpu.memory_space<vmem>>
        %dma_start3A_478 = arith.constant 0 : i32
        %dma_start3A_479 = arith.constant 0 : i32
        %dma_start3A_480 = tpu.memref_slice %arg2[%dma_start3A_478, %dma_start3A_479] : memref<20000x128xbf16, #tpu.memory_space<hbm>> -> memref<20000x128xbf16, #tpu.memory_space<hbm>>
        tpu.enqueue_indirect_dma source(%dma_start3A_480 : memref<20000x128xbf16, #tpu.memory_space<hbm>>) target(%arg10 : memref<256x128xbf16, #tpu.memory_space<vmem>>) offsets(%dma_start3A_477 : memref<256xi32, #tpu.memory_space<vmem>>) semaphore(%arg16 : memref<!tpu.dma_semaphore, #tpu.memory_space<semaphore_mem>>)
      } else {
      }
      %mul3A_410 = arith.constant 5 : i32
      %mul3A_411 = arith.muli %scan3A_282, %mul3A_410 : i32
      %add3A_412 = arith.constant 3 : i32
      %add3A_413 = arith.addi %mul3A_411, %add3A_412 : i32
      %lt3A_414 = arith.constant 40 : i32
      %lt3A_415 = arith.cmpi slt, %add3A_413, %lt3A_414 : i32
      %convert_element_type3A_416 = arith.extui %lt3A_415 : i1 to i32
      %cond3A_417 = arith.constant 0 : i32
      %cond3A_418 = arith.cmpi ne, %convert_element_type3A_416, %cond3A_417 : i32
      scf.if %cond3A_418 {
        %dma_wait3A_442 = arith.constant 3 : i32
        %dma_wait3A_443 = arith.constant 0 : i32
        %dma_wait3A_444 = tpu.memref_slice %arg6[%dma_wait3A_442, %dma_wait3A_443] : memref<5x256xi32, #tpu.memory_space<vmem>> -> memref<1x256xi32, #tpu.memory_space<vmem>>
        %dma_wait3A_445 = tpu.memref_squeeze %dma_wait3A_444 : memref<1x256xi32, #tpu.memory_space<vmem>> -> memref<256xi32, #tpu.memory_space<vmem>>
        %dma_wait3A_446 = arith.constant 0 : i32
        %dma_wait3A_447 = arith.constant 0 : i32
        %dma_wait3A_448 = tpu.memref_slice %arg13[%dma_wait3A_446, %dma_wait3A_447] : memref<10008x128xbf16, #tpu.memory_space<vmem_shared>> -> memref<10008x128xbf16, #tpu.memory_space<vmem_shared>>
        tpu.wait_indirect_dma semaphore(%arg22 : memref<!tpu.dma_semaphore, #tpu.memory_space<semaphore_mem>>) src(%arg11 : memref<256x128xbf16, #tpu.memory_space<vmem>>) dst(%dma_wait3A_448 : memref<10008x128xbf16, #tpu.memory_space<vmem_shared>>)
      } else {
      }
      %add3A_419 = arith.constant 5 : i32
      %add3A_420 = arith.addi %add3A_413, %add3A_419 : i32
      %lt3A_421 = arith.constant 40 : i32
      %lt3A_422 = arith.cmpi slt, %add3A_420, %lt3A_421 : i32
      %convert_element_type3A_423 = arith.extui %lt3A_422 : i1 to i32
      %cond3A_424 = arith.constant 0 : i32
      %cond3A_425 = arith.cmpi ne, %convert_element_type3A_423, %cond3A_424 : i32
      scf.if %cond3A_425 {
        %add3A_442 = arith.addi %mul3A_0, %add3A_413 : i32
        %add3A_443 = arith.constant 5 : i32
        %add3A_444 = arith.addi %add3A_442, %add3A_443 : i32
        %dma_start3A_445 = arith.constant 3 : i32
        %dma_start3A_446 = arith.constant 0 : i32
        %dma_start3A_447 = tpu.memref_slice %arg6[%dma_start3A_445, %dma_start3A_446] : memref<5x256xi32, #tpu.memory_space<vmem>> -> memref<1x256xi32, #tpu.memory_space<vmem>>
        %dma_start3A_448 = tpu.memref_squeeze %dma_start3A_447 : memref<1x256xi32, #tpu.memory_space<vmem>> -> memref<256xi32, #tpu.memory_space<vmem>>
        %dma_start3A_449 = arith.constant 0 : i32
        %dma_start3A_450 = tpu.memref_slice %arg3[%add3A_444, %dma_start3A_449] : memref<640x256xi32, #tpu.memory_space<hbm>> -> memref<1x256xi32, #tpu.memory_space<hbm>>
        %dma_start3A_451 = tpu.memref_squeeze %dma_start3A_450 : memref<1x256xi32, #tpu.memory_space<hbm>> -> memref<256xi32, #tpu.memory_space<hbm>>
        %dma_start3A_452 = arith.constant 0 : i32
        %dma_start3A_453 = tpu.memref_slice %arg6[%dma_start3A_445, %dma_start3A_452] : memref<5x256xi32, #tpu.memory_space<vmem>> -> memref<1x256xi32, #tpu.memory_space<vmem>>
        %dma_start3A_454 = tpu.memref_squeeze %dma_start3A_453 : memref<1x256xi32, #tpu.memory_space<vmem>> -> memref<256xi32, #tpu.memory_space<vmem>>
        %dma_start3A_455 = arith.constant 0 : i32
        %dma_start3A_456 = tpu.memref_slice %arg3[%add3A_444, %dma_start3A_455] : memref<640x256xi32, #tpu.memory_space<hbm>> -> memref<1x256xi32, #tpu.memory_space<hbm>>
        %dma_start3A_457 = tpu.memref_squeeze %dma_start3A_456 : memref<1x256xi32, #tpu.memory_space<hbm>> -> memref<256xi32, #tpu.memory_space<hbm>>
        tpu.enqueue_dma source(%dma_start3A_457 : memref<256xi32, #tpu.memory_space<hbm>>) target(%dma_start3A_454 : memref<256xi32, #tpu.memory_space<vmem>>) target_semaphore(%arg27 : memref<!tpu.dma_semaphore, #tpu.memory_space<semaphore_mem>>)
        %add3A_458 = arith.addi %mul3A_0, %add3A_413 : i32
        %add3A_459 = arith.constant 5 : i32
        %add3A_460 = arith.addi %add3A_458, %add3A_459 : i32
        %dma_wait3A_461 = arith.constant 3 : i32
        %dma_wait3A_462 = arith.constant 0 : i32
        %dma_wait3A_463 = tpu.memref_slice %arg7[%dma_wait3A_461, %dma_wait3A_462] : memref<5x256xi32, #tpu.memory_space<vmem>> -> memref<1x256xi32, #tpu.memory_space<vmem>>
        %dma_wait3A_464 = tpu.memref_squeeze %dma_wait3A_463 : memref<1x256xi32, #tpu.memory_space<vmem>> -> memref<256xi32, #tpu.memory_space<vmem>>
        %dma_wait3A_465 = arith.constant 0 : i32
        %dma_wait3A_466 = tpu.memref_slice %arg4[%arg0, %add3A_460, %dma_wait3A_465] : memref<2x640x256xi32, #tpu.memory_space<hbm>> -> memref<1x1x256xi32, #tpu.memory_space<hbm>>
        %dma_wait3A_467 = tpu.memref_squeeze %dma_wait3A_466 : memref<1x1x256xi32, #tpu.memory_space<hbm>> -> memref<256xi32, #tpu.memory_space<hbm>>
        %dma_wait3A_468 = arith.constant 0 : i32
        %dma_wait3A_469 = tpu.memref_slice %arg7[%dma_wait3A_461, %dma_wait3A_468] : memref<5x256xi32, #tpu.memory_space<vmem>> -> memref<1x256xi32, #tpu.memory_space<vmem>>
        %dma_wait3A_470 = tpu.memref_squeeze %dma_wait3A_469 : memref<1x256xi32, #tpu.memory_space<vmem>> -> memref<256xi32, #tpu.memory_space<vmem>>
        %dma_wait3A_471 = arith.constant 0 : i32
        %dma_wait3A_472 = tpu.memref_slice %arg4[%arg0, %add3A_460, %dma_wait3A_471] : memref<2x640x256xi32, #tpu.memory_space<hbm>> -> memref<1x1x256xi32, #tpu.memory_space<hbm>>
        %dma_wait3A_473 = tpu.memref_squeeze %dma_wait3A_472 : memref<1x1x256xi32, #tpu.memory_space<hbm>> -> memref<256xi32, #tpu.memory_space<hbm>>
        tpu.wait_dma2 semaphore(%arg32 : memref<!tpu.dma_semaphore, #tpu.memory_space<semaphore_mem>>) src(%dma_wait3A_473 : memref<256xi32, #tpu.memory_space<hbm>>) dst(%dma_wait3A_470 : memref<256xi32, #tpu.memory_space<vmem>>)
        %dma_start3A_474 = arith.constant 3 : i32
        %dma_start3A_475 = arith.constant 0 : i32
        %dma_start3A_476 = tpu.memref_slice %arg7[%dma_start3A_474, %dma_start3A_475] : memref<5x256xi32, #tpu.memory_space<vmem>> -> memref<1x256xi32, #tpu.memory_space<vmem>>
        %dma_start3A_477 = tpu.memref_squeeze %dma_start3A_476 : memref<1x256xi32, #tpu.memory_space<vmem>> -> memref<256xi32, #tpu.memory_space<vmem>>
        %dma_start3A_478 = arith.constant 0 : i32
        %dma_start3A_479 = arith.constant 0 : i32
        %dma_start3A_480 = tpu.memref_slice %arg2[%dma_start3A_478, %dma_start3A_479] : memref<20000x128xbf16, #tpu.memory_space<hbm>> -> memref<20000x128xbf16, #tpu.memory_space<hbm>>
        tpu.enqueue_indirect_dma source(%dma_start3A_480 : memref<20000x128xbf16, #tpu.memory_space<hbm>>) target(%arg11 : memref<256x128xbf16, #tpu.memory_space<vmem>>) offsets(%dma_start3A_477 : memref<256xi32, #tpu.memory_space<vmem>>) semaphore(%arg17 : memref<!tpu.dma_semaphore, #tpu.memory_space<semaphore_mem>>)
      } else {
      }
      %mul3A_426 = arith.constant 5 : i32
      %mul3A_427 = arith.muli %scan3A_282, %mul3A_426 : i32
      %add3A_428 = arith.constant 4 : i32
      %add3A_429 = arith.addi %mul3A_427, %add3A_428 : i32
      %lt3A_430 = arith.constant 40 : i32
      %lt3A_431 = arith.cmpi slt, %add3A_429, %lt3A_430 : i32
      %convert_element_type3A_432 = arith.extui %lt3A_431 : i1 to i32
      %cond3A_433 = arith.constant 0 : i32
      %cond3A_434 = arith.cmpi ne, %convert_element_type3A_432, %cond3A_433 : i32
      scf.if %cond3A_434 {
        %dma_wait3A_442 = arith.constant 4 : i32
        %dma_wait3A_443 = arith.constant 0 : i32
        %dma_wait3A_444 = tpu.memref_slice %arg6[%dma_wait3A_442, %dma_wait3A_443] : memref<5x256xi32, #tpu.memory_space<vmem>> -> memref<1x256xi32, #tpu.memory_space<vmem>>
        %dma_wait3A_445 = tpu.memref_squeeze %dma_wait3A_444 : memref<1x256xi32, #tpu.memory_space<vmem>> -> memref<256xi32, #tpu.memory_space<vmem>>
        %dma_wait3A_446 = arith.constant 0 : i32
        %dma_wait3A_447 = arith.constant 0 : i32
        %dma_wait3A_448 = tpu.memref_slice %arg13[%dma_wait3A_446, %dma_wait3A_447] : memref<10008x128xbf16, #tpu.memory_space<vmem_shared>> -> memref<10008x128xbf16, #tpu.memory_space<vmem_shared>>
        tpu.wait_indirect_dma semaphore(%arg23 : memref<!tpu.dma_semaphore, #tpu.memory_space<semaphore_mem>>) src(%arg12 : memref<256x128xbf16, #tpu.memory_space<vmem>>) dst(%dma_wait3A_448 : memref<10008x128xbf16, #tpu.memory_space<vmem_shared>>)
      } else {
      }
      %add3A_435 = arith.constant 5 : i32
      %add3A_436 = arith.addi %add3A_429, %add3A_435 : i32
      %lt3A_437 = arith.constant 40 : i32
      %lt3A_438 = arith.cmpi slt, %add3A_436, %lt3A_437 : i32
      %convert_element_type3A_439 = arith.extui %lt3A_438 : i1 to i32
      %cond3A_440 = arith.constant 0 : i32
      %cond3A_441 = arith.cmpi ne, %convert_element_type3A_439, %cond3A_440 : i32
      scf.if %cond3A_441 {
        %add3A_442 = arith.addi %mul3A_0, %add3A_429 : i32
        %add3A_443 = arith.constant 5 : i32
        %add3A_444 = arith.addi %add3A_442, %add3A_443 : i32
        %dma_start3A_445 = arith.constant 4 : i32
        %dma_start3A_446 = arith.constant 0 : i32
        %dma_start3A_447 = tpu.memref_slice %arg6[%dma_start3A_445, %dma_start3A_446] : memref<5x256xi32, #tpu.memory_space<vmem>> -> memref<1x256xi32, #tpu.memory_space<vmem>>
        %dma_start3A_448 = tpu.memref_squeeze %dma_start3A_447 : memref<1x256xi32, #tpu.memory_space<vmem>> -> memref<256xi32, #tpu.memory_space<vmem>>
        %dma_start3A_449 = arith.constant 0 : i32
        %dma_start3A_450 = tpu.memref_slice %arg3[%add3A_444, %dma_start3A_449] : memref<640x256xi32, #tpu.memory_space<hbm>> -> memref<1x256xi32, #tpu.memory_space<hbm>>
        %dma_start3A_451 = tpu.memref_squeeze %dma_start3A_450 : memref<1x256xi32, #tpu.memory_space<hbm>> -> memref<256xi32, #tpu.memory_space<hbm>>
        %dma_start3A_452 = arith.constant 0 : i32
        %dma_start3A_453 = tpu.memref_slice %arg6[%dma_start3A_445, %dma_start3A_452] : memref<5x256xi32, #tpu.memory_space<vmem>> -> memref<1x256xi32, #tpu.memory_space<vmem>>
        %dma_start3A_454 = tpu.memref_squeeze %dma_start3A_453 : memref<1x256xi32, #tpu.memory_space<vmem>> -> memref<256xi32, #tpu.memory_space<vmem>>
        %dma_start3A_455 = arith.constant 0 : i32
        %dma_start3A_456 = tpu.memref_slice %arg3[%add3A_444, %dma_start3A_455] : memref<640x256xi32, #tpu.memory_space<hbm>> -> memref<1x256xi32, #tpu.memory_space<hbm>>
        %dma_start3A_457 = tpu.memref_squeeze %dma_start3A_456 : memref<1x256xi32, #tpu.memory_space<hbm>> -> memref<256xi32, #tpu.memory_space<hbm>>
        tpu.enqueue_dma source(%dma_start3A_457 : memref<256xi32, #tpu.memory_space<hbm>>) target(%dma_start3A_454 : memref<256xi32, #tpu.memory_space<vmem>>) target_semaphore(%arg28 : memref<!tpu.dma_semaphore, #tpu.memory_space<semaphore_mem>>)
        %add3A_458 = arith.addi %mul3A_0, %add3A_429 : i32
        %add3A_459 = arith.constant 5 : i32
        %add3A_460 = arith.addi %add3A_458, %add3A_459 : i32
        %dma_wait3A_461 = arith.constant 4 : i32
        %dma_wait3A_462 = arith.constant 0 : i32
        %dma_wait3A_463 = tpu.memref_slice %arg7[%dma_wait3A_461, %dma_wait3A_462] : memref<5x256xi32, #tpu.memory_space<vmem>> -> memref<1x256xi32, #tpu.memory_space<vmem>>
        %dma_wait3A_464 = tpu.memref_squeeze %dma_wait3A_463 : memref<1x256xi32, #tpu.memory_space<vmem>> -> memref<256xi32, #tpu.memory_space<vmem>>
        %dma_wait3A_465 = arith.constant 0 : i32
        %dma_wait3A_466 = tpu.memref_slice %arg4[%arg0, %add3A_460, %dma_wait3A_465] : memref<2x640x256xi32, #tpu.memory_space<hbm>> -> memref<1x1x256xi32, #tpu.memory_space<hbm>>
        %dma_wait3A_467 = tpu.memref_squeeze %dma_wait3A_466 : memref<1x1x256xi32, #tpu.memory_space<hbm>> -> memref<256xi32, #tpu.memory_space<hbm>>
        %dma_wait3A_468 = arith.constant 0 : i32
        %dma_wait3A_469 = tpu.memref_slice %arg7[%dma_wait3A_461, %dma_wait3A_468] : memref<5x256xi32, #tpu.memory_space<vmem>> -> memref<1x256xi32, #tpu.memory_space<vmem>>
        %dma_wait3A_470 = tpu.memref_squeeze %dma_wait3A_469 : memref<1x256xi32, #tpu.memory_space<vmem>> -> memref<256xi32, #tpu.memory_space<vmem>>
        %dma_wait3A_471 = arith.constant 0 : i32
        %dma_wait3A_472 = tpu.memref_slice %arg4[%arg0, %add3A_460, %dma_wait3A_471] : memref<2x640x256xi32, #tpu.memory_space<hbm>> -> memref<1x1x256xi32, #tpu.memory_space<hbm>>
        %dma_wait3A_473 = tpu.memref_squeeze %dma_wait3A_472 : memref<1x1x256xi32, #tpu.memory_space<hbm>> -> memref<256xi32, #tpu.memory_space<hbm>>
        tpu.wait_dma2 semaphore(%arg33 : memref<!tpu.dma_semaphore, #tpu.memory_space<semaphore_mem>>) src(%dma_wait3A_473 : memref<256xi32, #tpu.memory_space<hbm>>) dst(%dma_wait3A_470 : memref<256xi32, #tpu.memory_space<vmem>>)
        %dma_start3A_474 = arith.constant 4 : i32
        %dma_start3A_475 = arith.constant 0 : i32
        %dma_start3A_476 = tpu.memref_slice %arg7[%dma_start3A_474, %dma_start3A_475] : memref<5x256xi32, #tpu.memory_space<vmem>> -> memref<1x256xi32, #tpu.memory_space<vmem>>
        %dma_start3A_477 = tpu.memref_squeeze %dma_start3A_476 : memref<1x256xi32, #tpu.memory_space<vmem>> -> memref<256xi32, #tpu.memory_space<vmem>>
        %dma_start3A_478 = arith.constant 0 : i32
        %dma_start3A_479 = arith.constant 0 : i32
        %dma_start3A_480 = tpu.memref_slice %arg2[%dma_start3A_478, %dma_start3A_479] : memref<20000x128xbf16, #tpu.memory_space<hbm>> -> memref<20000x128xbf16, #tpu.memory_space<hbm>>
        tpu.enqueue_indirect_dma source(%dma_start3A_480 : memref<20000x128xbf16, #tpu.memory_space<hbm>>) target(%arg12 : memref<256x128xbf16, #tpu.memory_space<vmem>>) offsets(%dma_start3A_477 : memref<256xi32, #tpu.memory_space<vmem>>) semaphore(%arg18 : memref<!tpu.dma_semaphore, #tpu.memory_space<semaphore_mem>>)
      } else {
      }
    }
    %scan3A_271 = arith.constant 8 : i32
    %barrier3A_272 = arith.constant 0 : index
    tpu.barrier barrier_id(%barrier3A_272)
    %mul3A_273 = arith.constant 624 : i32
    %mul3A_274 = arith.muli %arg1, %mul3A_273 : i32
    %mul3A_275 = arith.constant 624 : i32
    %mul3A_276 = arith.muli %arg1, %mul3A_275 : i32
    "tpu.region"() ({
      %run_scoped3A = tpu.sem_alloc : memref<!tpu.dma_semaphore, #tpu.memory_space<semaphore_mem>>
      %dma_start3A_282 = arith.constant 0 : i32
      %dma_start3A_283 = tpu.memref_slice %arg5[%arg0, %mul3A_276, %dma_start3A_282] : memref<2x10000x128xbf16, #tpu.memory_space<hbm>> -> memref<1x624x128xbf16, #tpu.memory_space<hbm>>
      %dma_start3A_284 = tpu.memref_squeeze %dma_start3A_283 : memref<1x624x128xbf16, #tpu.memory_space<hbm>> -> memref<624x128xbf16, #tpu.memory_space<hbm>>
      %dma_start3A_285 = arith.constant 0 : i32
      %dma_start3A_286 = tpu.memref_slice %arg13[%mul3A_274, %dma_start3A_285] : memref<10008x128xbf16, #tpu.memory_space<vmem_shared>> -> memref<624x128xbf16, #tpu.memory_space<vmem_shared>>
      tpu.enqueue_dma source(%dma_start3A_286 : memref<624x128xbf16, #tpu.memory_space<vmem_shared>>) target(%dma_start3A_284 : memref<624x128xbf16, #tpu.memory_space<hbm>>) target_semaphore(%run_scoped3A : memref<!tpu.dma_semaphore, #tpu.memory_space<semaphore_mem>>)
      %dma_wait3A_287 = arith.constant 0 : i32
      %dma_wait3A_288 = tpu.memref_slice %arg5[%arg0, %mul3A_276, %dma_wait3A_287] : memref<2x10000x128xbf16, #tpu.memory_space<hbm>> -> memref<1x624x128xbf16, #tpu.memory_space<hbm>>
      %dma_wait3A_289 = tpu.memref_squeeze %dma_wait3A_288 : memref<1x624x128xbf16, #tpu.memory_space<hbm>> -> memref<624x128xbf16, #tpu.memory_space<hbm>>
      %dma_wait3A_290 = arith.constant 0 : i32
      %dma_wait3A_291 = tpu.memref_slice %arg13[%mul3A_274, %dma_wait3A_290] : memref<10008x128xbf16, #tpu.memory_space<vmem_shared>> -> memref<624x128xbf16, #tpu.memory_space<vmem_shared>>
      tpu.wait_dma2 semaphore(%run_scoped3A : memref<!tpu.dma_semaphore, #tpu.memory_space<semaphore_mem>>) src(%dma_wait3A_291 : memref<624x128xbf16, #tpu.memory_space<vmem_shared>>) dst(%dma_wait3A_289 : memref<624x128xbf16, #tpu.memory_space<hbm>>)
      tpu.yield
    }) : () -> ()
    %eq3A_277 = arith.constant 15 : i32
    %eq3A_278 = arith.cmpi eq, %arg1, %eq3A_277 : i32
    %convert_element_type3A_279 = arith.extui %eq3A_278 : i1 to i32
    %cond3A_280 = arith.constant 0 : i32
    %cond3A_281 = arith.cmpi ne, %convert_element_type3A_279, %cond3A_280 : i32
    scf.if %cond3A_281 {
      "tpu.region"() ({
        %run_scoped3A = tpu.sem_alloc : memref<!tpu.dma_semaphore, #tpu.memory_space<semaphore_mem>>
        %dma_start3A_282 = arith.constant 9984 : i32
        %dma_start3A_283 = arith.constant 0 : i32
        %dma_start3A_284 = tpu.memref_slice %arg5[%arg0, %dma_start3A_282, %dma_start3A_283] : memref<2x10000x128xbf16, #tpu.memory_space<hbm>> -> memref<1x16x128xbf16, #tpu.memory_space<hbm>>
        %dma_start3A_285 = tpu.memref_squeeze %dma_start3A_284 : memref<1x16x128xbf16, #tpu.memory_space<hbm>> -> memref<16x128xbf16, #tpu.memory_space<hbm>>
        %dma_start3A_286 = arith.constant 9984 : i32
        %dma_start3A_287 = arith.constant 0 : i32
        %dma_start3A_288 = tpu.memref_slice %arg13[%dma_start3A_286, %dma_start3A_287] : memref<10008x128xbf16, #tpu.memory_space<vmem_shared>> -> memref<16x128xbf16, #tpu.memory_space<vmem_shared>>
        tpu.enqueue_dma source(%dma_start3A_288 : memref<16x128xbf16, #tpu.memory_space<vmem_shared>>) target(%dma_start3A_285 : memref<16x128xbf16, #tpu.memory_space<hbm>>) target_semaphore(%run_scoped3A : memref<!tpu.dma_semaphore, #tpu.memory_space<semaphore_mem>>)
        %dma_wait3A_289 = arith.constant 9984 : i32
        %dma_wait3A_290 = arith.constant 0 : i32
        %dma_wait3A_291 = tpu.memref_slice %arg5[%arg0, %dma_wait3A_289, %dma_wait3A_290] : memref<2x10000x128xbf16, #tpu.memory_space<hbm>> -> memref<1x16x128xbf16, #tpu.memory_space<hbm>>
        %dma_wait3A_292 = tpu.memref_squeeze %dma_wait3A_291 : memref<1x16x128xbf16, #tpu.memory_space<hbm>> -> memref<16x128xbf16, #tpu.memory_space<hbm>>
        %dma_wait3A_293 = arith.constant 9984 : i32
        %dma_wait3A_294 = arith.constant 0 : i32
        %dma_wait3A_295 = tpu.memref_slice %arg13[%dma_wait3A_293, %dma_wait3A_294] : memref<10008x128xbf16, #tpu.memory_space<vmem_shared>> -> memref<16x128xbf16, #tpu.memory_space<vmem_shared>>
        tpu.wait_dma2 semaphore(%run_scoped3A : memref<!tpu.dma_semaphore, #tpu.memory_space<semaphore_mem>>) src(%dma_wait3A_295 : memref<16x128xbf16, #tpu.memory_space<vmem_shared>>) dst(%dma_wait3A_292 : memref<16x128xbf16, #tpu.memory_space<hbm>>)
        tpu.yield
      }) : () -> ()
    } else {
    }
    return
  }
}

#map = affine_map<(d0, d1) -> (0)>
module attributes {stable_mosaic.version = 14 : i64} {
  func.func @body(%arg0: i32, %arg1: i32, %arg2: memref<163840xi32, #tpu.memory_space<hbm>>, %arg3: memref<327680xf32, #tpu.memory_space<hbm>>, %arg4: memref<5120xi32, #tpu.memory_space<vmem>>, %arg5: memref<10048xf32, #tpu.memory_space<vmem>>) attributes {dimension_semantics = [#tpu.dimension_semantics<core_parallel>, #tpu.dimension_semantics<subcore_parallel>], iteration_bounds = array<i64: 2, 16>, scalar_prefetch = 0 : i64, scratch_operands = 2 : i64, tpu.core_type = #tpu.core_type<sc_vector_subcore>, window_params = [{transform_indices = #map}, {transform_indices = #map}]} {
    %mul3A = arith.constant 2 : i32
    %mul3A_0 = arith.muli %arg1, %mul3A : i32
    %add3A = arith.addi %mul3A_0, %arg0 : i32
    %mul3A_1 = arith.constant 5120 : i32
    %mul3A_2 = arith.muli %add3A, %mul3A_1 : i32
    "tpu.region"() ({
      %run_scoped3A = tpu.sem_alloc : memref<!tpu.dma_semaphore, #tpu.memory_space<semaphore_mem>>
      %dma_start3A = tpu.memref_slice %arg2[%mul3A_2] : memref<163840xi32, #tpu.memory_space<hbm>> -> memref<5120xi32, #tpu.memory_space<hbm>>
      %dma_start3A_37 = tpu.memref_slice %arg2[%mul3A_2] : memref<163840xi32, #tpu.memory_space<hbm>> -> memref<5120xi32, #tpu.memory_space<hbm>>
      tpu.enqueue_dma source(%dma_start3A_37 : memref<5120xi32, #tpu.memory_space<hbm>>) target(%arg4 : memref<5120xi32, #tpu.memory_space<vmem>>) target_semaphore(%run_scoped3A : memref<!tpu.dma_semaphore, #tpu.memory_space<semaphore_mem>>)
      %dma_wait3A = tpu.memref_slice %arg2[%mul3A_2] : memref<163840xi32, #tpu.memory_space<hbm>> -> memref<5120xi32, #tpu.memory_space<hbm>>
      %dma_wait3A_38 = tpu.memref_slice %arg2[%mul3A_2] : memref<163840xi32, #tpu.memory_space<hbm>> -> memref<5120xi32, #tpu.memory_space<hbm>>
      tpu.wait_dma2 semaphore(%run_scoped3A : memref<!tpu.dma_semaphore, #tpu.memory_space<semaphore_mem>>) src(%dma_wait3A_38 : memref<5120xi32, #tpu.memory_space<hbm>>) dst(%arg4 : memref<5120xi32, #tpu.memory_space<vmem>>)
      tpu.yield
    }) : () -> ()
    %broadcast_in_dim3A = arith.constant 0.000000e+00 : f32
    %broadcast_in_dim3A_3 = vector.broadcast %broadcast_in_dim3A : f32 to vector<16xf32>
    %scan3A = arith.constant 0 : i32
    %scan3A_4 = arith.constant 0 : i32
    %scan3A_5 = arith.constant 628 : i32
    %scan3A_6 = arith.addi %scan3A_4, %scan3A_5 : i32
    %scan3A_7 = arith.constant 1 : i32
    scf.for %scan3A_37 = %scan3A_4 to %scan3A_6 step %scan3A_7  : i32 {
      %mul3A_38 = arith.constant 16 : i32
      %mul3A_39 = arith.muli %scan3A_37, %mul3A_38 : i32
      %swap3A = arith.index_cast %mul3A_39 : i32 to index
      %swap3A_40 = tpu.vector_load %arg5[%swap3A] {strides = array<i32>} : memref<10048xf32, #tpu.memory_space<vmem>>, vector<16xf32>,
      tpu.vector_store %arg5[%swap3A], %broadcast_in_dim3A_3 {strides = array<i32>} : memref<10048xf32, #tpu.memory_space<vmem>>, vector<16xf32>,
    }
    %scan3A_8 = arith.constant 628 : i32
    %broadcast_in_dim3A_9 = arith.constant 1.000000e+00 : f32
    %broadcast_in_dim3A_10 = vector.broadcast %broadcast_in_dim3A_9 : f32 to vector<16xf32>
    %scan3A_11 = arith.constant 0 : i32
    %scan3A_12 = arith.constant 0 : i32
    %scan3A_13 = arith.constant 320 : i32
    %scan3A_14 = arith.addi %scan3A_12, %scan3A_13 : i32
    %scan3A_15 = arith.constant 1 : i32
    scf.for %scan3A_37 = %scan3A_12 to %scan3A_14 step %scan3A_15  : i32 {
      %mul3A_38 = arith.constant 16 : i32
      %mul3A_39 = arith.muli %scan3A_37, %mul3A_38 : i32
      %get3A = arith.index_cast %mul3A_39 : i32 to index
      %get3A_40 = tpu.vector_load %arg4[%get3A] {strides = array<i32>} : memref<5120xi32, #tpu.memory_space<vmem>>, vector<16xi32>,
      tpu.vector_store_idx %arg5[%get3A_40], %broadcast_in_dim3A_10 {add = true} : memref<10048xf32, #tpu.memory_space<vmem>>[vector<16xi32>], vector<16xf32>,
    }
    %scan3A_16 = arith.constant 320 : i32
    %add3A_17 = arith.constant 0 : i32
    %add3A_18 = arith.addi %add3A_17, %add3A : i32
    %mul3A_19 = arith.constant 2048 : i32
    %mul3A_20 = arith.muli %add3A_18, %mul3A_19 : i32
    "tpu.region"() ({
      %run_scoped3A = tpu.sem_alloc : memref<!tpu.dma_semaphore, #tpu.memory_space<semaphore_mem>>
      %dma_start3A = arith.constant 0 : i32
      %dma_start3A_37 = tpu.memref_slice %arg5[%dma_start3A] : memref<10048xf32, #tpu.memory_space<vmem>> -> memref<2048xf32, #tpu.memory_space<vmem>>
      %dma_start3A_38 = tpu.memref_slice %arg3[%mul3A_20] : memref<327680xf32, #tpu.memory_space<hbm>> -> memref<2048xf32, #tpu.memory_space<hbm>>
      %dma_start3A_39 = tpu.memref_slice %arg3[%mul3A_20] : memref<327680xf32, #tpu.memory_space<hbm>> -> memref<2048xf32, #tpu.memory_space<hbm>>
      %dma_start3A_40 = arith.constant 0 : i32
      %dma_start3A_41 = tpu.memref_slice %arg5[%dma_start3A_40] : memref<10048xf32, #tpu.memory_space<vmem>> -> memref<2048xf32, #tpu.memory_space<vmem>>
      tpu.enqueue_dma source(%dma_start3A_41 : memref<2048xf32, #tpu.memory_space<vmem>>) target(%dma_start3A_39 : memref<2048xf32, #tpu.memory_space<hbm>>) target_semaphore(%run_scoped3A : memref<!tpu.dma_semaphore, #tpu.memory_space<semaphore_mem>>)
      %dma_wait3A = arith.constant 0 : i32
      %dma_wait3A_42 = tpu.memref_slice %arg5[%dma_wait3A] : memref<10048xf32, #tpu.memory_space<vmem>> -> memref<2048xf32, #tpu.memory_space<vmem>>
      %dma_wait3A_43 = tpu.memref_slice %arg3[%mul3A_20] : memref<327680xf32, #tpu.memory_space<hbm>> -> memref<2048xf32, #tpu.memory_space<hbm>>
      %dma_wait3A_44 = tpu.memref_slice %arg3[%mul3A_20] : memref<327680xf32, #tpu.memory_space<hbm>> -> memref<2048xf32, #tpu.memory_space<hbm>>
      %dma_wait3A_45 = arith.constant 0 : i32
      %dma_wait3A_46 = tpu.memref_slice %arg5[%dma_wait3A_45] : memref<10048xf32, #tpu.memory_space<vmem>> -> memref<2048xf32, #tpu.memory_space<vmem>>
      tpu.wait_dma2 semaphore(%run_scoped3A : memref<!tpu.dma_semaphore, #tpu.memory_space<semaphore_mem>>) src(%dma_wait3A_46 : memref<2048xf32, #tpu.memory_space<vmem>>) dst(%dma_wait3A_44 : memref<2048xf32, #tpu.memory_space<hbm>>)
      tpu.yield
    }) : () -> ()
    %add3A_21 = arith.constant 32 : i32
    %add3A_22 = arith.addi %add3A_21, %add3A : i32
    %mul3A_23 = arith.constant 2048 : i32
    %mul3A_24 = arith.muli %add3A_22, %mul3A_23 : i32
    "tpu.region"() ({
      %run_scoped3A = tpu.sem_alloc : memref<!tpu.dma_semaphore, #tpu.memory_space<semaphore_mem>>
      %dma_start3A = arith.constant 2000 : i32
      %dma_start3A_37 = tpu.memref_slice %arg5[%dma_start3A] : memref<10048xf32, #tpu.memory_space<vmem>> -> memref<2048xf32, #tpu.memory_space<vmem>>
      %dma_start3A_38 = tpu.memref_slice %arg3[%mul3A_24] : memref<327680xf32, #tpu.memory_space<hbm>> -> memref<2048xf32, #tpu.memory_space<hbm>>
      %dma_start3A_39 = tpu.memref_slice %arg3[%mul3A_24] : memref<327680xf32, #tpu.memory_space<hbm>> -> memref<2048xf32, #tpu.memory_space<hbm>>
      %dma_start3A_40 = arith.constant 2000 : i32
      %dma_start3A_41 = tpu.memref_slice %arg5[%dma_start3A_40] : memref<10048xf32, #tpu.memory_space<vmem>> -> memref<2048xf32, #tpu.memory_space<vmem>>
      tpu.enqueue_dma source(%dma_start3A_41 : memref<2048xf32, #tpu.memory_space<vmem>>) target(%dma_start3A_39 : memref<2048xf32, #tpu.memory_space<hbm>>) target_semaphore(%run_scoped3A : memref<!tpu.dma_semaphore, #tpu.memory_space<semaphore_mem>>)
      %dma_wait3A = arith.constant 2000 : i32
      %dma_wait3A_42 = tpu.memref_slice %arg5[%dma_wait3A] : memref<10048xf32, #tpu.memory_space<vmem>> -> memref<2048xf32, #tpu.memory_space<vmem>>
      %dma_wait3A_43 = tpu.memref_slice %arg3[%mul3A_24] : memref<327680xf32, #tpu.memory_space<hbm>> -> memref<2048xf32, #tpu.memory_space<hbm>>
      %dma_wait3A_44 = tpu.memref_slice %arg3[%mul3A_24] : memref<327680xf32, #tpu.memory_space<hbm>> -> memref<2048xf32, #tpu.memory_space<hbm>>
      %dma_wait3A_45 = arith.constant 2000 : i32
      %dma_wait3A_46 = tpu.memref_slice %arg5[%dma_wait3A_45] : memref<10048xf32, #tpu.memory_space<vmem>> -> memref<2048xf32, #tpu.memory_space<vmem>>
      tpu.wait_dma2 semaphore(%run_scoped3A : memref<!tpu.dma_semaphore, #tpu.memory_space<semaphore_mem>>) src(%dma_wait3A_46 : memref<2048xf32, #tpu.memory_space<vmem>>) dst(%dma_wait3A_44 : memref<2048xf32, #tpu.memory_space<hbm>>)
      tpu.yield
    }) : () -> ()
    %add3A_25 = arith.constant 64 : i32
    %add3A_26 = arith.addi %add3A_25, %add3A : i32
    %mul3A_27 = arith.constant 2048 : i32
    %mul3A_28 = arith.muli %add3A_26, %mul3A_27 : i32
    "tpu.region"() ({
      %run_scoped3A = tpu.sem_alloc : memref<!tpu.dma_semaphore, #tpu.memory_space<semaphore_mem>>
      %dma_start3A = arith.constant 4000 : i32
      %dma_start3A_37 = tpu.memref_slice %arg5[%dma_start3A] : memref<10048xf32, #tpu.memory_space<vmem>> -> memref<2048xf32, #tpu.memory_space<vmem>>
      %dma_start3A_38 = tpu.memref_slice %arg3[%mul3A_28] : memref<327680xf32, #tpu.memory_space<hbm>> -> memref<2048xf32, #tpu.memory_space<hbm>>
      %dma_start3A_39 = tpu.memref_slice %arg3[%mul3A_28] : memref<327680xf32, #tpu.memory_space<hbm>> -> memref<2048xf32, #tpu.memory_space<hbm>>
      %dma_start3A_40 = arith.constant 4000 : i32
      %dma_start3A_41 = tpu.memref_slice %arg5[%dma_start3A_40] : memref<10048xf32, #tpu.memory_space<vmem>> -> memref<2048xf32, #tpu.memory_space<vmem>>
      tpu.enqueue_dma source(%dma_start3A_41 : memref<2048xf32, #tpu.memory_space<vmem>>) target(%dma_start3A_39 : memref<2048xf32, #tpu.memory_space<hbm>>) target_semaphore(%run_scoped3A : memref<!tpu.dma_semaphore, #tpu.memory_space<semaphore_mem>>)
      %dma_wait3A = arith.constant 4000 : i32
      %dma_wait3A_42 = tpu.memref_slice %arg5[%dma_wait3A] : memref<10048xf32, #tpu.memory_space<vmem>> -> memref<2048xf32, #tpu.memory_space<vmem>>
      %dma_wait3A_43 = tpu.memref_slice %arg3[%mul3A_28] : memref<327680xf32, #tpu.memory_space<hbm>> -> memref<2048xf32, #tpu.memory_space<hbm>>
      %dma_wait3A_44 = tpu.memref_slice %arg3[%mul3A_28] : memref<327680xf32, #tpu.memory_space<hbm>> -> memref<2048xf32, #tpu.memory_space<hbm>>
      %dma_wait3A_45 = arith.constant 4000 : i32
      %dma_wait3A_46 = tpu.memref_slice %arg5[%dma_wait3A_45] : memref<10048xf32, #tpu.memory_space<vmem>> -> memref<2048xf32, #tpu.memory_space<vmem>>
      tpu.wait_dma2 semaphore(%run_scoped3A : memref<!tpu.dma_semaphore, #tpu.memory_space<semaphore_mem>>) src(%dma_wait3A_46 : memref<2048xf32, #tpu.memory_space<vmem>>) dst(%dma_wait3A_44 : memref<2048xf32, #tpu.memory_space<hbm>>)
      tpu.yield
    }) : () -> ()
    %add3A_29 = arith.constant 96 : i32
    %add3A_30 = arith.addi %add3A_29, %add3A : i32
    %mul3A_31 = arith.constant 2048 : i32
    %mul3A_32 = arith.muli %add3A_30, %mul3A_31 : i32
    "tpu.region"() ({
      %run_scoped3A = tpu.sem_alloc : memref<!tpu.dma_semaphore, #tpu.memory_space<semaphore_mem>>
      %dma_start3A = arith.constant 6000 : i32
      %dma_start3A_37 = tpu.memref_slice %arg5[%dma_start3A] : memref<10048xf32, #tpu.memory_space<vmem>> -> memref<2048xf32, #tpu.memory_space<vmem>>
      %dma_start3A_38 = tpu.memref_slice %arg3[%mul3A_32] : memref<327680xf32, #tpu.memory_space<hbm>> -> memref<2048xf32, #tpu.memory_space<hbm>>
      %dma_start3A_39 = tpu.memref_slice %arg3[%mul3A_32] : memref<327680xf32, #tpu.memory_space<hbm>> -> memref<2048xf32, #tpu.memory_space<hbm>>
      %dma_start3A_40 = arith.constant 6000 : i32
      %dma_start3A_41 = tpu.memref_slice %arg5[%dma_start3A_40] : memref<10048xf32, #tpu.memory_space<vmem>> -> memref<2048xf32, #tpu.memory_space<vmem>>
      tpu.enqueue_dma source(%dma_start3A_41 : memref<2048xf32, #tpu.memory_space<vmem>>) target(%dma_start3A_39 : memref<2048xf32, #tpu.memory_space<hbm>>) target_semaphore(%run_scoped3A : memref<!tpu.dma_semaphore, #tpu.memory_space<semaphore_mem>>)
      %dma_wait3A = arith.constant 6000 : i32
      %dma_wait3A_42 = tpu.memref_slice %arg5[%dma_wait3A] : memref<10048xf32, #tpu.memory_space<vmem>> -> memref<2048xf32, #tpu.memory_space<vmem>>
      %dma_wait3A_43 = tpu.memref_slice %arg3[%mul3A_32] : memref<327680xf32, #tpu.memory_space<hbm>> -> memref<2048xf32, #tpu.memory_space<hbm>>
      %dma_wait3A_44 = tpu.memref_slice %arg3[%mul3A_32] : memref<327680xf32, #tpu.memory_space<hbm>> -> memref<2048xf32, #tpu.memory_space<hbm>>
      %dma_wait3A_45 = arith.constant 6000 : i32
      %dma_wait3A_46 = tpu.memref_slice %arg5[%dma_wait3A_45] : memref<10048xf32, #tpu.memory_space<vmem>> -> memref<2048xf32, #tpu.memory_space<vmem>>
      tpu.wait_dma2 semaphore(%run_scoped3A : memref<!tpu.dma_semaphore, #tpu.memory_space<semaphore_mem>>) src(%dma_wait3A_46 : memref<2048xf32, #tpu.memory_space<vmem>>) dst(%dma_wait3A_44 : memref<2048xf32, #tpu.memory_space<hbm>>)
      tpu.yield
    }) : () -> ()
    %add3A_33 = arith.constant 128 : i32
    %add3A_34 = arith.addi %add3A_33, %add3A : i32
    %mul3A_35 = arith.constant 2048 : i32
    %mul3A_36 = arith.muli %add3A_34, %mul3A_35 : i32
    "tpu.region"() ({
      %run_scoped3A = tpu.sem_alloc : memref<!tpu.dma_semaphore, #tpu.memory_space<semaphore_mem>>
      %dma_start3A = arith.constant 8000 : i32
      %dma_start3A_37 = tpu.memref_slice %arg5[%dma_start3A] : memref<10048xf32, #tpu.memory_space<vmem>> -> memref<2048xf32, #tpu.memory_space<vmem>>
      %dma_start3A_38 = tpu.memref_slice %arg3[%mul3A_36] : memref<327680xf32, #tpu.memory_space<hbm>> -> memref<2048xf32, #tpu.memory_space<hbm>>
      %dma_start3A_39 = tpu.memref_slice %arg3[%mul3A_36] : memref<327680xf32, #tpu.memory_space<hbm>> -> memref<2048xf32, #tpu.memory_space<hbm>>
      %dma_start3A_40 = arith.constant 8000 : i32
      %dma_start3A_41 = tpu.memref_slice %arg5[%dma_start3A_40] : memref<10048xf32, #tpu.memory_space<vmem>> -> memref<2048xf32, #tpu.memory_space<vmem>>
      tpu.enqueue_dma source(%dma_start3A_41 : memref<2048xf32, #tpu.memory_space<vmem>>) target(%dma_start3A_39 : memref<2048xf32, #tpu.memory_space<hbm>>) target_semaphore(%run_scoped3A : memref<!tpu.dma_semaphore, #tpu.memory_space<semaphore_mem>>)
      %dma_wait3A = arith.constant 8000 : i32
      %dma_wait3A_42 = tpu.memref_slice %arg5[%dma_wait3A] : memref<10048xf32, #tpu.memory_space<vmem>> -> memref<2048xf32, #tpu.memory_space<vmem>>
      %dma_wait3A_43 = tpu.memref_slice %arg3[%mul3A_36] : memref<327680xf32, #tpu.memory_space<hbm>> -> memref<2048xf32, #tpu.memory_space<hbm>>
      %dma_wait3A_44 = tpu.memref_slice %arg3[%mul3A_36] : memref<327680xf32, #tpu.memory_space<hbm>> -> memref<2048xf32, #tpu.memory_space<hbm>>
      %dma_wait3A_45 = arith.constant 8000 : i32
      %dma_wait3A_46 = tpu.memref_slice %arg5[%dma_wait3A_45] : memref<10048xf32, #tpu.memory_space<vmem>> -> memref<2048xf32, #tpu.memory_space<vmem>>
      tpu.wait_dma2 semaphore(%run_scoped3A : memref<!tpu.dma_semaphore, #tpu.memory_space<semaphore_mem>>) src(%dma_wait3A_46 : memref<2048xf32, #tpu.memory_space<vmem>>) dst(%dma_wait3A_44 : memref<2048xf32, #tpu.memory_space<hbm>>)
      tpu.yield
    }) : () -> ()
    return
  }
}

module attributes {stable_mosaic.version = 14 : i64} {
  func.func @body(%arg0: i32, %arg1: memref<2000x256xf32, #tpu.memory_space<vmem>>, %arg2: memref<256x256xf32, #tpu.memory_space<vmem>>, %arg3: memref<32x2048xf32, #tpu.memory_space<vmem>>, %arg4: memref<2x2000x128xbf16, #tpu.memory_space<vmem>>) attributes {dimension_semantics = [#tpu.dimension_semantics<arbitrary>], iteration_bounds = array<i64: 5>, scalar_prefetch = 0 : i64, scratch_operands = 0 : i64, tpu.core_type = #tpu.core_type<tc>, window_params = [{transform_indices = @transform_0, window_bounds = array<i64: 2000, 256>}, {pipeline_mode = #tpu.pipeline_mode<synchronous>, transform_indices = @transform_1, window_bounds = array<i64: 256, 256>}, {transform_indices = @transform_2, window_bounds = array<i64: 32, 2048>}, {transform_indices = @transform_3, window_bounds = array<i64: 2, 2000, 128>}]} {
    %get3A = arith.constant 0 : index
    %get3A_0 = arith.constant 0 : index
    %get3A_1 = vector.load %arg1[%get3A, %get3A_0] : memref<2000x256xf32, #tpu.memory_space<vmem>>, vector<2000x256xf32>
    %get3A_2 = arith.constant 0 : index
    %get3A_3 = arith.constant 0 : index
    %get3A_4 = vector.load %arg2[%get3A_2, %get3A_3] : memref<256x256xf32, #tpu.memory_space<vmem>>, vector<256x256xf32>
    %dot_general3A = arith.constant dense<0.000000e+00> : vector<2000x256xf32>
    %dot_general3A_5 = tpu.matmul %get3A_1, %get3A_4, %dot_general3A {dimension_numbers = #tpu.dot_dimension_numbers<[1], [1], [0], [0], [0, 0, 1, 0], [], []>, transpose_lhs_hint = false} : vector<2000x256xf32>, vector<256x256xf32>, vector<2000x256xf32> -> vector<2000x256xf32>
    %get3A_6 = arith.constant 0 : index
    %get3A_7 = arith.constant 0 : index
    %get3A_8 = vector.load %arg3[%get3A_6, %get3A_7] : memref<32x2048xf32, #tpu.memory_space<vmem>>, vector<32x2000xf32>
    %reduce_sum3A = arith.constant dense<0.000000e+00> : vector<2000xf32>
    %reduce_sum3A_9 = vector.multi_reduction <add>, %get3A_8, %reduce_sum3A [0] : vector<32x2000xf32> to vector<2000xf32>
    %add3A = arith.constant 1.000000e+00 : f32
    %add3A_10 = vector.broadcast %add3A : f32 to vector<2000xf32>
    %add3A_11 = arith.addf %add3A_10, %reduce_sum3A_9 : vector<2000xf32>
    %rsqrt3A = math.rsqrt %add3A_11 : vector<2000xf32>
    %broadcast_in_dim3A = vector.shape_cast %rsqrt3A : vector<2000xf32> to vector<2000x1xf32>
    %mul3A = vector.broadcast %broadcast_in_dim3A : vector<2000x1xf32> to vector<2000x256xf32>
    %mul3A_12 = arith.mulf %dot_general3A_5, %mul3A : vector<2000x256xf32>
    %convert_element_type3A = arith.truncf %mul3A_12 : vector<2000x256xf32> to vector<2000x256xbf16>
    %slice3A = vector.extract_strided_slice %convert_element_type3A {offsets = [0, 0], sizes = [2000, 128], strides = [1, 1]} : vector<2000x256xbf16> to vector<2000x128xbf16>
    %swap3A = arith.constant 0 : index
    %swap3A_13 = arith.constant 0 : index
    %swap3A_14 = arith.constant 0 : index
    %swap3A_15 = vector.load %arg4[%swap3A, %swap3A_13, %swap3A_14] : memref<2x2000x128xbf16, #tpu.memory_space<vmem>>, vector<1x2000x128xbf16>
    %swap3A_16 = vector.shape_cast %swap3A_15 : vector<1x2000x128xbf16> to vector<2000x128xbf16>
    %swap3A_17 = vector.shape_cast %slice3A : vector<2000x128xbf16> to vector<1x2000x128xbf16>
    tpu.vector_store %arg4[%swap3A, %swap3A_13, %swap3A_14], %swap3A_17 {strides = array<i32>} : memref<2x2000x128xbf16, #tpu.memory_space<vmem>>, vector<1x2000x128xbf16>,
    %slice3A_18 = vector.extract_strided_slice %convert_element_type3A {offsets = [0, 128], sizes = [2000, 128], strides = [1, 1]} : vector<2000x256xbf16> to vector<2000x128xbf16>
    %swap3A_19 = arith.constant 1 : index
    %swap3A_20 = arith.constant 0 : index
    %swap3A_21 = arith.constant 0 : index
    %swap3A_22 = vector.load %arg4[%swap3A_19, %swap3A_20, %swap3A_21] : memref<2x2000x128xbf16, #tpu.memory_space<vmem>>, vector<1x2000x128xbf16>
    %swap3A_23 = vector.shape_cast %swap3A_22 : vector<1x2000x128xbf16> to vector<2000x128xbf16>
    %swap3A_24 = vector.shape_cast %slice3A_18 : vector<2000x128xbf16> to vector<1x2000x128xbf16>
    tpu.vector_store %arg4[%swap3A_19, %swap3A_20, %swap3A_21], %swap3A_24 {strides = array<i32>} : memref<2x2000x128xbf16, #tpu.memory_space<vmem>>, vector<1x2000x128xbf16>,
    return
  }
  func.func @transform_0(%arg0: i32) -> (i32, i32) {
    %c0_i32 = arith.constant 0 : i32
    %c0_i32_0 = arith.constant 0 : i32
    return %arg0, %c0_i32 : i32, i32
  }
  func.func @transform_1(%arg0: i32) -> (i32, i32) {
    %c0_i32 = arith.constant 0 : i32
    %c0_i32_0 = arith.constant 0 : i32
    %c0_i32_1 = arith.constant 0 : i32
    return %c0_i32, %c0_i32_0 : i32, i32
  }
  func.func @transform_2(%arg0: i32) -> (i32, i32) {
    %c0_i32 = arith.constant 0 : i32
    %c0_i32_0 = arith.constant 0 : i32
    return %arg0, %c0_i32 : i32, i32
  }
  func.func @transform_3(%arg0: i32) -> (i32, i32, i32) {
    %c0_i32 = arith.constant 0 : i32
    %c0_i32_0 = arith.constant 0 : i32
    %c0_i32_1 = arith.constant 0 : i32
    return %c0_i32, %arg0, %c0_i32_0 : i32, i32, i32
  }
}

module attributes {stable_mosaic.version = 14 : i64} {
  func.func @body(%arg0: i32, %arg1: memref<2x2000x128xbf16, #tpu.memory_space<vmem>>, %arg2: memref<32x2048xf32, #tpu.memory_space<vmem>>, %arg3: memref<2000x256xf32, #tpu.memory_space<vmem>>) attributes {dimension_semantics = [#tpu.dimension_semantics<arbitrary>], iteration_bounds = array<i64: 5>, scalar_prefetch = 0 : i64, scratch_operands = 0 : i64, tpu.core_type = #tpu.core_type<tc>, window_params = [{transform_indices = @transform_0, window_bounds = array<i64: 2, 2000, 128>}, {transform_indices = @transform_1, window_bounds = array<i64: 32, 2048>}, {transform_indices = @transform_2, window_bounds = array<i64: 2000, 256>}]} {
    %get3A = arith.constant 0 : index
    %get3A_0 = arith.constant 0 : index
    %get3A_1 = vector.load %arg2[%get3A, %get3A_0] : memref<32x2048xf32, #tpu.memory_space<vmem>>, vector<32x2000xf32>
    %reduce_sum3A = arith.constant dense<0.000000e+00> : vector<2000xf32>
    %reduce_sum3A_2 = vector.multi_reduction <add>, %get3A_1, %reduce_sum3A [0] : vector<32x2000xf32> to vector<2000xf32>
    %add3A = arith.constant 1.000000e+00 : f32
    %add3A_3 = vector.broadcast %add3A : f32 to vector<2000xf32>
    %add3A_4 = arith.addf %add3A_3, %reduce_sum3A_2 : vector<2000xf32>
    %rsqrt3A = math.rsqrt %add3A_4 : vector<2000xf32>
    %broadcast_in_dim3A = vector.shape_cast %rsqrt3A : vector<2000xf32> to vector<2000x1xf32>
    %get3A_5 = arith.constant 0 : index
    %get3A_6 = arith.constant 0 : index
    %get3A_7 = arith.constant 0 : index
    %get3A_8 = vector.load %arg1[%get3A_5, %get3A_6, %get3A_7] : memref<2x2000x128xbf16, #tpu.memory_space<vmem>>, vector<1x2000x128xbf16>
    %get3A_9 = vector.shape_cast %get3A_8 : vector<1x2000x128xbf16> to vector<2000x128xbf16>
    %convert_element_type3A = arith.extf %get3A_9 : vector<2000x128xbf16> to vector<2000x128xf32>
    %mul3A = vector.broadcast %broadcast_in_dim3A : vector<2000x1xf32> to vector<2000x128xf32>
    %mul3A_10 = arith.mulf %convert_element_type3A, %mul3A : vector<2000x128xf32>
    %swap3A = arith.constant 0 : index
    %swap3A_11 = arith.constant 0 : index
    %swap3A_12 = vector.load %arg3[%swap3A, %swap3A_11] : memref<2000x256xf32, #tpu.memory_space<vmem>>, vector<2000x128xf32>
    tpu.vector_store %arg3[%swap3A, %swap3A_11], %mul3A_10 {strides = array<i32>} : memref<2000x256xf32, #tpu.memory_space<vmem>>, vector<2000x128xf32>,
    %get3A_13 = arith.constant 1 : index
    %get3A_14 = arith.constant 0 : index
    %get3A_15 = arith.constant 0 : index
    %get3A_16 = vector.load %arg1[%get3A_13, %get3A_14, %get3A_15] : memref<2x2000x128xbf16, #tpu.memory_space<vmem>>, vector<1x2000x128xbf16>
    %get3A_17 = vector.shape_cast %get3A_16 : vector<1x2000x128xbf16> to vector<2000x128xbf16>
    %convert_element_type3A_18 = arith.extf %get3A_17 : vector<2000x128xbf16> to vector<2000x128xf32>
    %mul3A_19 = vector.broadcast %broadcast_in_dim3A : vector<2000x1xf32> to vector<2000x128xf32>
    %mul3A_20 = arith.mulf %convert_element_type3A_18, %mul3A_19 : vector<2000x128xf32>
    %swap3A_21 = arith.constant 0 : index
    %swap3A_22 = arith.constant 128 : index
    %swap3A_23 = vector.load %arg3[%swap3A_21, %swap3A_22] : memref<2000x256xf32, #tpu.memory_space<vmem>>, vector<2000x128xf32>
    tpu.vector_store %arg3[%swap3A_21, %swap3A_22], %mul3A_20 {strides = array<i32>} : memref<2000x256xf32, #tpu.memory_space<vmem>>, vector<2000x128xf32>,
    return
  }
  func.func @transform_0(%arg0: i32) -> (i32, i32, i32) {
    %c0_i32 = arith.constant 0 : i32
    %c0_i32_0 = arith.constant 0 : i32
    %c0_i32_1 = arith.constant 0 : i32
    return %c0_i32, %arg0, %c0_i32_0 : i32, i32, i32
  }
  func.func @transform_1(%arg0: i32) -> (i32, i32) {
    %c0_i32 = arith.constant 0 : i32
    %c0_i32_0 = arith.constant 0 : i32
    return %arg0, %c0_i32 : i32, i32
  }
  func.func @transform_2(%arg0: i32) -> (i32, i32) {
    %c0_i32 = arith.constant 0 : i32
    %c0_i32_0 = arith.constant 0 : i32
    return %arg0, %c0_i32 : i32, i32
  }
}

</mosaic_0001>

<sc_bundles>
// kernel: kernel.6.cloned.1.call-start
scs
__scs_entry_jumppad:
0x0: {  	(pc) =	sbr.rel $0x88, $3  }
0x1: {  	(tag) =	ssettag $0x0;
	lr =	simm.s32 $0x1  }
0x2: {  	[smem:$0x3F9E] =	sst lr;
	_ =	strace $0xD0000000  }
0x3: {  	_ = 	snop  }
0x4: {  	_ = 	snop  }
0x5: {  	_ = 	snop  }
0x6: {  	_ = 	snop  }
0x7: {  	_ = 	snop  }
__scs_overlays_trampoline_lowered:
0x8: {  	[smem:$0x3FAD] =	sst s0  }
0x9: {  	[smem:$0x3FAE] =	sst s1  }
0xa: {  	[smem:$0x3FAF] =	sst s2  }
0xb: {  	[smem:$0x3FB0] =	sst s3  }
0xc: {  	[smem:$0x3FB1] =	sst s4  }
0xd: {  	[smem:$0x3FB2] =	sst s5  }
0xe: {  	[smem:$0x3FB3] =	sst s6  }
0xf: {  	[smem:$0x3FB4] =	sst s7  }
0x10: {  	[smem:$0x3FB5] =	sst s8  }
0x11: {  	[smem:$0x3FB6] =	sst s9;
	s0 =	simm.s32 @!p0 $0x0  }
0x12: {  	s1 =	sld [smem:$0x3F9C];
	s0 =	simm.s32 @p0 $0x1  }
0x13: {  	[smem:$0x3FB7] =	sst s0;
	s0 =	simm.s32 @!p1 $0x0  }
0x14: {  	s2 =	sld [smem:$0x3F9B];
	s0 =	simm.s32 @p1 $0x1  }
0x15: {  	[smem:$0x3FB8] =	sst s0;
	s0 =	simm.s32 @!p2 $0x0  }
0x16: {  	s3 =	sld [smem:$0x3FDB];
	s0 =	simm.s32 @p2 $0x1  }
0x17: {  	s4 =	simm.s32 $0x1BF5;
	[smem:$0x3FBA] =	sst s0  }
0x18: {  	s0 =	sld [smem:$0x3F9D];
	_ =	swait.ge [sflag:s4], $0x0  }
0x19: {  	s7 =	sld [smem:$0x3F9E]  }
0x1a: {  	s8 =	sadd.s32 $0xFFFFE003, lr  }
0x1b: {  	s9 =	sadd.s32 $0xFFFFFEF7, lr;
	s5 =	simm.s32 $0xFFFFFFFF;
	p2 =	slt.u32 s8, $0xFFFFF086  }
0x1c: {  	p1 =	slt.u32 s9, $0xF7A;
	s5 =	simm.s32 @!p2 $0x0  }
0x1d: {  	s5 =	simm.s32 @p1 $0x1;
	p0 =	seq.s32 s7, s2  }
0x1e: {  	s7 =	smul.u32 @!p0 $0xF7A, s2;
	p2 =	seq.s32 @!p0 s5, $0x0  }
0x1f: {  	s9 =	smul.u32 $0xF7A, s1;
	s8 =	simm.s32 @!p0 $0x1BF5;
	p2 =	por !p2, p0  }
0x20: {  	[sflag:s8] =	ssyncset.s32 @!p0 $0xFFFFF086;
	s6 =	sadd.s32 @!p0 s3, s7;
	s7 =	simm.s32 @!p0 $0x108  }
0x21: {  	s3 =	sadd.s32 s3, s9;
	s6 =	sadd.s32 @!p0 $0x88, s6;
	s7 =	simm.s32 @p2 $0x1082  }
0x22: {  	[simem:s7], [sflag:s8] =	dma.local @!p0 [hbm:s6], $0xF7A  }
0x23: {  	s9 =	sor.u32 $0xD0000000, s2;
	s6 =	simm.s32 $0x108;
	_ =	swait.ge @!p0 [sflag:s8], $0x0  }
0x24: {  	s3 =	sadd.s32 $0x88, s3;
	s6 =	simm.s32 @!p1 $0x1082;
	[sflag:s4] =	ssyncset.s32 $0xFFFFF086  }
0x25: {  	[simem:s6], [sflag:s4] =	dma.local [hbm:s3], $0xF7A  }
0x26: {  	[smem:$0x3F9E] =	sst s1;
	(tag) =	ssettag s2;
	_ =	strace s9  }
0x27: {  	s1 =	sld [smem:$0x3FAE]  }
0x28: {  	s2 =	sld [smem:$0x3FAF]  }
0x29: {  	s4 =	sld [smem:$0x3FB1]  }
0x2a: {  	p0 =	seq.s32 s5, $0x0;
	s5 =	sld [smem:$0x3FB2]  }
0x2b: {  	s6 =	sld [smem:$0x3FB3]  }
0x2c: {  	s7 =	sld [smem:$0x3FB4]  }
0x2d: {  	s3 =	simm.s32 $0x108;
	s8 =	sld [smem:$0x3FB5]  }
0x2e: {  	s3 =	simm.s32 @!p0 $0x1082;
	s9 =	sld [smem:$0x3FB6]  }
0x2f: {  	lr =	sadd.s32 s0, s3;
	s0 =	sld [smem:$0x3FAD]  }
0x30: {  	s3 =	sld [smem:$0x3FB0]  }
0x31: {  	[smem:$0x3FB9] =	sst s10  }
0x32: {  	s10 =	sld [smem:$0x3FB7];
	_ =	sdelay $0x3  }
0x33: {  	p0 =	seq.s32 s10, $0x1;
	s10 =	sld [smem:$0x3FB9];
	_ =	sdelay $0x3  }
0x34: {  	[smem:$0x3FB9] =	sst s10  }
0x35: {  	s10 =	sld [smem:$0x3FB8];
	_ =	sdelay $0x3  }
0x36: {  	p1 =	seq.s32 s10, $0x1;
	s10 =	sld [smem:$0x3FB9];
	_ =	sdelay $0x3  }
0x37: {  	[smem:$0x3FB9] =	sst s10  }
0x38: {  	s10 =	sld [smem:$0x3FBA]  }
0x39: {  	_ = 	snop;
	(pc) =	sbr.ind lr, $3  }
0x3a: {  	_ = 	snop  }
0x3b: {  	_ = 	snop  }
0x3c: {  	p2 =	seq.s32 s10, $0x1;
	s10 =	sld [smem:$0x3FB9]  }
0x3d: {  	_ =	shalt  }
0x3e: {  	_ =	shalt  }
0x3f: {  	_ =	shalt  }
0x40: {  	_ =	shalt  }
0x41: {  	_ =	shalt  }
0x42: {  	_ =	shalt  }
0x43: {  	_ =	shalt  }
0x44: {  	_ =	shalt  }
0x45: {  	_ =	shalt  }
0x46: {  	_ =	shalt  }
0x47: {  	_ =	shalt  }
0x48: {  	_ =	shalt  }
0x49: {  	_ =	shalt  }
0x4a: {  	_ =	shalt  }
0x4b: {  	_ =	shalt  }
0x4c: {  	_ =	shalt  }
0x4d: {  	_ =	shalt  }
0x4e: {  	_ =	shalt  }
0x4f: {  	_ =	shalt  }
0x50: {  	_ =	shalt  }
0x51: {  	_ =	shalt  }
0x52: {  	_ =	shalt  }
0x53: {  	_ =	shalt  }
0x54: {  	_ =	shalt  }
0x55: {  	_ =	shalt  }
0x56: {  	_ =	shalt  }
0x57: {  	_ =	shalt  }
0x58: {  	_ =	shalt  }
0x59: {  	_ =	shalt  }
0x5a: {  	_ =	shalt  }
0x5b: {  	_ =	shalt  }
0x5c: {  	_ =	shalt  }
0x5d: {  	_ =	shalt  }
0x5e: {  	_ =	shalt  }
0x5f: {  	_ =	shalt  }
0x60: {  	_ =	shalt  }
0x61: {  	_ =	shalt  }
0x62: {  	_ =	shalt  }
0x63: {  	_ =	shalt  }
0x64: {  	_ =	shalt  }
0x65: {  	_ =	shalt  }
0x66: {  	_ =	shalt  }
0x67: {  	_ =	shalt  }
0x68: {  	_ =	shalt  }
0x69: {  	_ =	shalt  }
0x6a: {  	_ =	shalt  }
0x6b: {  	_ =	shalt  }
0x6c: {  	_ =	shalt  }
0x6d: {  	_ =	shalt  }
0x6e: {  	_ =	shalt  }
0x6f: {  	_ =	shalt  }
0x70: {  	_ =	shalt  }
0x71: {  	_ =	shalt  }
0x72: {  	_ =	shalt  }
0x73: {  	_ =	shalt  }
0x74: {  	_ =	shalt  }
0x75: {  	_ =	shalt  }
0x76: {  	_ =	shalt  }
0x77: {  	_ =	shalt  }
0x78: {  	_ =	shalt  }
0x79: {  	_ =	shalt  }
0x7a: {  	_ =	shalt  }
0x7b: {  	_ =	shalt  }
0x7c: {  	_ =	shalt  }
0x7d: {  	_ =	shalt  }
0x7e: {  	_ =	shalt  }
0x7f: {  	_ =	shalt  }
0x80: {  	_ =	shalt  }
0x81: {  	_ =	shalt  }
0x82: {  	_ =	shalt  }
0x83: {  	_ =	shalt  }
0x84: {  	_ =	shalt  }
0x85: {  	_ =	shalt  }
0x86: {  	_ =	shalt  }
0x87: {  	_ =	shalt  }
.Lfunc_end0:
.L_simem_size_0:
called_computation_lowered:
.L_overlay_start_0:
0x88: {  	s2 =	sld [smem:$0x3FD9]  }
0x89: {  	s3 =	sld [smem:$0x3FFE];
	_ =	sdelay $0x1  }
0x8a: {  	s1 =	srdreg.scid  }
0x8b: {  	s0 =	sand.u32 $0x1, s1  }
0x8c: {  	s17 =	sshll.u32 s0, $0xA;
	s2 =	sadd.s32 s3, s2  }
0x8d: {  	s2 =	sadd.s32 s2, s17  }
0x8e: {  	[smem:$0x3FC5] =	sst s2  }
0x8f: {  	_ = 	snop  }
0x90: {  	s2 =	sld [smem:$0x3FD0];
	(tm) =	ssettm $0x1  }
0x91: {  	s18 =	sld [smem:$0x3FFB];
	_ =	sdelay $0x3  }
0x92: {  	_ =	strace s18  }
0x93: {  	s3 =	sld [smem:$0x3FFC];
	_ =	sdelay $0x3  }
0x94: {  	_ =	strace s3  }
0x95: {  	s3 =	sld [smem:$0x3FFD];
	_ =	sdelay $0x3  }
0x96: {  	_ =	strace s3  }
0x97: {  	_ =	strace $0x8FFFFFFF  }
0x98: {  	s19 =	sld [smem:$0x3FDB];
	_ =	sdelay $0x1  }
0x99: {  	s4 =	simm.s32 $_scs_section_size  }
0x9a: {  	s5 =	simm.s32 $_size__tile_overlayer_lowered;
	s6 =	simm.s32 $_tile_overlayer_lowered  }
0x9b: {  	s22 =	simm.s32 $0x1BFF;
	s21 =	sshll.u32 s6, $0x1;
	s3 =	sadd.s32 s4, s19  }
0x9c: {  	s7 =	simm.s32 $0x0;
	s20 =	sshll.u32 s5, $0x1;
	s5 =	sadd.s32 s21, s3  }
0x9d: {  	[timem:s7], [sflag:s22] =	dma.local [hbm:s5], s20  }
0x9e: {  	_ =	swait.ge [sflag:s22], s20  }
0x9f: {  	s4 =	ssub.s32 $0x0, s20;
	[sflag:s22] =	ssyncset.done $0x0  }
0xa0: {  	[sflag:s22] =	ssyncadd.s32 s4;
	_ =	sdelay $0x1  }
0xa1: {  	s23 =	simm.s32 $0x1B8B  }
0xa2: {  	_ =	swait.ge [sflag:s23], $0x1  }
0xa3: {  	[sflag:s23] =	ssyncset.done $0x0  }
0xa4: {  	s25 =	simm.s32 $0x1B8E;
	s24 =	sld [smem:$0x3FFE];
	[sflag:s23] =	ssyncadd.s32 $0xFFFFFFFF  }
0xa5: {  	s26 =	simm.s32 $execute0_lowered;
	[smem:$0x3FD2] =	sst s25  }
0xa6: {  	s5 =	sshll.u32 s26, $0x1;
	_ =	strace $0x80000046;
	[dreg:$0x1] =	wrdreg $0xFFFFFFFF  }
0xa7: {  	s28 =	simm.s32 $_size_execute0_lowered;
	s3 =	sadd.s32 s3, s5;
	[dreg:$0x0] =	wrdreg $0x0  }
0xa8: {  	s5 =	sshll.u32 s28, $0x1;
	[dreg:$0x2] =	wrdreg s3  }
0xa9: {  	[dreg:$0x3] =	wrdreg s5  }
0xaa: {  	[dreg:$0x4] =	wrdreg $0xC0  }
0xab: {  	_ =	task [dreg:s7], $0x5FFFF  }
0xac: {  	[dreg:$0x1] =	wrdreg $0xFFFFFFFF  }
0xad: {  	[dreg:$0x0] =	wrdreg $0x60  }
0xae: {  	[dreg:$0x2] =	wrdreg s24  }
0xaf: {  	[dreg:$0x3] =	wrdreg s2  }
0xb0: {  	[dreg:$0x4] =	wrdreg $0x9  }
0xb1: {  	_ =	task.clear_ibuf [dreg:s7], $0x5FFFF;
	_ =	strace $0x90000046  }
0xb2: {  	s29 =	simm.s32 $0x9;
	_ =	strace $0x80000048  }
0xb3: {  	_ =	swait.ge [sflag:s29], $0x1  }
0xb4: {  	[sflag:s29] =	ssyncadd.s32 $0xFFFFFFFF  }
0xb5: {  	_ =	strace $0x90000048  }
0xb6: {  	_ =	sfence  }
0xb7: {  	s30 =	sld [smem:$0x0];
	_ =	sdelay $0x2  }
0xb8: {  	s31 =	sshll.u32 s1, $0xD;
	s1 =	sshrl.u32 s1, $0x2  }
0xb9: {  	s3 =	sand.u32 $0x4000, s31;
	s1 =	sadd.s32 s1, s30  }
0xba: {  	s0 =	sor.u32 s3, s0;
	s1 =	sshll.u32 s1, $0x11  }
0xbb: {  	s0 =	sor.u32 s1, s0  }
0xbc: {  	s0 =	sadd.s32 $0x8F2B, s0  }
0xbd: {  	[sflag:s0] =	ssyncadd.remote.s32 $0x1  }
0xbe: {  	_ =	sfence.sel $0xFFFF  }
0xbf: {  	[dreg:$0x0] =	wrdreg $0xFFFFFFFF;
	(pc) =	sbr.abs _section_cstart, $3  }
0xc0: {  	[dreg:$0x1] =	wrdreg $0xFFFFFFFF  }
0xc1: {  	_ =	task.clear_ibuf [dreg:s7], $0x2FFFF;
	_ =	strace $0x9FFFFFFF  }
0xc2: {  	(tm) =	ssettm $0x7FFFFFFF  }
0xc3: {  	_ =	shalt  }
tec
execute0_lowered:
.L_overlay_start_1:
0x0: {  	(tag) =	ssettag $0x1  }
0x1: {  	s3 =	rddreg [dreg:$0x0];
	s1 =	srdreg.scid  }
0x2: {  	s0 =	stileid.u32;
	s4 =	rddreg [dreg:$0x1]  }
0x3: {  	s2 =	simm.s32 $0x0;
	s10 =	simm.s32 $0x1;
	s11 =	simm.s32 $0x1400  }
0x4: {  	s12 =	simm.s32 $0x1BD0;
	s13 =	simm.s32 $0x23A0;
	s14 =	simm.s32 $0x2B70  }
0x5: {  	s15 =	simm.s32 $0x3340;
	s5 =	sand.u32 $0x1, s1;
	s6 =	sshll.u32 s0, $0x1  }
0x6: {  	s16 =	simm.s32 $0x0;
	s1 =	rddreg [dreg:$0x2];
	s6 =	sor.u32 s5, s6  }
0x7: {  	[smem:$0x7FF] =	sst s2;
	s5 =	ssub.s32 $0x2, s5;
	s7 =	smul.u32 $0x280, s6  }
0x8: {  	_ =	strace $0x80000047;
	s31 =	sshrl.u32 s5, $0x1;
	s6 =	sshll.u32 s6, $0x8  }
0x9: {  	s9 =	ssub.s32 s5, s31;
	s4 =	sadd.s32 s4, s6;
	s3 =	sadd.s32 s7, s3  }
0xa: {  	s5 =	sadd.s32 $0x2000, s4;
	s6 =	sadd.s32 $0x4000, s4;
	s7 =	sadd.s32 $0x6000, s4  }
0xb: {  	v0 =	vimm.f32 $0.0e+00;
	v1 =	vimm.f32 $1.000000000e+00;
	s8 =	sadd.s32 $0x8000, s4;
	s9 =	smax.u32 s9, $0x1;
	s3 =	sadd.s32 $0x1000, s3  }
.LBB2_1:
0xc: {  	[tilespmem:s2], [sflag:$0x1] =	stream.linear.gather [hbm4b:s3+s2], $0x1400, $0x38;
	[tilespmem:$0x3B80] =	vst v63  }
0xd: {  	_ =	swait.ge [sflag:s10], $0x1400  }
0xe: {  	[sflag:s10] =	ssyncset.done $0x0  }
0xf: {  	s17 =	simm.s32 $0x0;
	[sflag:s10] =	ssyncadd.s32 $0xFFFFEC00  }
.LBB2_2:
0x10: {  	p0 =	sne.s32 s17, $0x9CC0  }
.Ltmp0:
0x11: {  	_ = 	snop;
	(pc) =	sbr.rel @p0 .LBB2_2-.Ltmp0, $3  }
0x12: {  	_ =	sdelay $0x1  }
0x13: {  	s18 =	sshra.s32 s17, $0x2  }
0x14: {  	s17 =	sadd.s32 $0x40, s17;
	[tilespmem:s18+$0x1400] =	vst v0  }
0x15: {  	s18 =	simm.s32 $0x0;
	s17 =	simm.s32 $0x40  }
.LBB2_4:
0x16: {  	p0 =	sne.s32 s17, $0x4FC0;
	v2 =	vld [tilespmem:s18+$0x0];
	_ =	sdelay $0x3  }
.Ltmp1:
0x17: {  	(pc) =	sbr.rel @p0 .LBB2_4-.Ltmp1, $2  }
0x18: {  	_ =	sdelay $0x2  }
0x19: {  	s18 =	sshra.s32 s17, $0x2;
	s17 =	sadd.s32 $0x40, s17;
	[tilespmem:v2+s11+$0x0] =	vst.idx.add.f32.msk $0xffff, v1  }
0x1a: {  	v2 =	vld [tilespmem:s18+$0x0];
	_ =	sdelay $0x7  }
0x1b: {  	[tilespmem:v2+s11+$0x0] =	vst.idx.add.f32.msk $0xffff, v1  }
0x1c: {  	[hbm4b:s4+s2] =	stream.linear.scatter [tilespmem:s11], [sflag:$0x1], $0x800, $0x38;
	[tilespmem:$0x3B80] =	vst v63  }
0x1d: {  	_ =	swait.ge [sflag:s10], $0x800  }
0x1e: {  	[sflag:s10] =	ssyncset.done $0x0  }
0x1f: {  	[sflag:s10] =	ssyncadd.s32 $0xFFFFF800  }
0x20: {  	[hbm4b:s5+s2] =	stream.linear.scatter [tilespmem:s12], [sflag:$0x1], $0x800, $0x38;
	[tilespmem:$0x3B80] =	vst v63  }
0x21: {  	_ =	swait.ge [sflag:s10], $0x800  }
0x22: {  	[sflag:s10] =	ssyncset.done $0x0  }
0x23: {  	[sflag:s10] =	ssyncadd.s32 $0xFFFFF800  }
0x24: {  	[hbm4b:s6+s2] =	stream.linear.scatter [tilespmem:s13], [sflag:$0x1], $0x800, $0x38;
	[tilespmem:$0x3B80] =	vst v63  }
0x25: {  	_ =	swait.ge [sflag:s10], $0x800  }
0x26: {  	[sflag:s10] =	ssyncset.done $0x0  }
0x27: {  	[sflag:s10] =	ssyncadd.s32 $0xFFFFF800  }
0x28: {  	[hbm4b:s7+s2] =	stream.linear.scatter [tilespmem:s14], [sflag:$0x1], $0x800, $0x38;
	[tilespmem:$0x3B80] =	vst v63  }
0x29: {  	s16 =	sadd.s32 $0x1, s16;
	_ =	swait.ge [sflag:s10], $0x800  }
0x2a: {  	p0 =	sne.s32 s16, s9;
	[sflag:s10] =	ssyncset.done $0x0  }
.Ltmp2:
0x2b: {  	[sflag:s10] =	ssyncadd.s32 $0xFFFFF800;
	(pc) =	sbr.rel @p0 .LBB2_1-.Ltmp2, $4  }
0x2c: {  	[hbm4b:s8+s2] =	stream.linear.scatter [tilespmem:s15], [sflag:$0x1], $0x800, $0x38;
	[tilespmem:$0x3B80] =	vst v63  }
0x2d: {  	_ =	swait.ge [sflag:s10], $0x800  }
0x2e: {  	[sflag:s10] =	ssyncset.done $0x0  }
0x2f: {  	[sflag:s10] =	ssyncadd.s32 $0xFFFFF800  }
0x30: {  	_ =	sfence.sel $0x180000  }
0x31: {  	[bflag:$0x0] =	sbarrier.arrive $0xFFFF  }
0x32: {  	p0 =	sne.s32 s0, $0x0;
	_ =	strace $0x90000047  }
0x33: {  	s0 =	sadd.s32 @!p0 $0x100000, s1;
	[bflag:$0x2] =	sbarrier.arrive $0xFFFF  }
0x34: {  	[sflag:s0] =	ssyncadd.tile.s32 @!p0 $0x1;
	_ =	shalt  }
.Lfunc_end2:
_tile_overlayer_lowered:
.L_overlay_start_2:
0x35: {  	(tag) =	ssettag $0x2  }
0x36: {  	s0 =	rddreg [dreg:$0x0];
	s2 =	stileid.u32  }
0x37: {  	s1 =	rddreg [dreg:$0x1];
	p0 =	sne.s32 s2, $0x0  }
0x38: {  	s3 =	rddreg [dreg:$0x2];
	[bflag:$0x3] =	sbarrier.arrive $0xFFFF;
	s2 =	simm.s32 @!p0 $0x1C01  }
0x39: {  	[timem:s3], [sflag:s2] =	dma.local @!p0 [hbm:s0], s1  }
0x3a: {  	s0 =	simm.s32 @!p0 $0x1  }
0x3b: {  	_ =	swait.ge @!p0 [sflag:s0], s1  }
0x3c: {  	s1 =	ssub.s32 @!p0 $0x0, s1;
	[sflag:s0] =	ssyncset.done @!p0 $0x0  }
0x3d: {  	[sflag:s0] =	ssyncadd.s32 @!p0 s1  }
0x3e: {  	[bflag:$0x3] =	sbarrier.arrive $0xFFFF  }
0x3f: {  	_ =	shalt  }

// kernel: kernel.9.cloned.1.call-start
scs
__scs_entry_jumppad:
0x0: {  	(pc) =	sbr.rel $0x88, $3  }
0x1: {  	(tag) =	ssettag $0x0;
	lr =	simm.s32 $0x1  }
0x2: {  	[smem:$0x3F9E] =	sst lr;
	_ =	strace $0xD0000000  }
0x3: {  	_ = 	snop  }
0x4: {  	_ = 	snop  }
0x5: {  	_ = 	snop  }
0x6: {  	_ = 	snop  }
0x7: {  	_ = 	snop  }
__scs_overlays_trampoline_lowered:
0x8: {  	[smem:$0x3FAD] =	sst s0  }
0x9: {  	[smem:$0x3FAE] =	sst s1  }
0xa: {  	[smem:$0x3FAF] =	sst s2  }
0xb: {  	[smem:$0x3FB0] =	sst s3  }
0xc: {  	[smem:$0x3FB1] =	sst s4  }
0xd: {  	[smem:$0x3FB2] =	sst s5  }
0xe: {  	[smem:$0x3FB3] =	sst s6  }
0xf: {  	[smem:$0x3FB4] =	sst s7  }
0x10: {  	[smem:$0x3FB5] =	sst s8  }
0x11: {  	[smem:$0x3FB6] =	sst s9;
	s0 =	simm.s32 @!p0 $0x0  }
0x12: {  	s1 =	sld [smem:$0x3F9C];
	s0 =	simm.s32 @p0 $0x1  }
0x13: {  	[smem:$0x3FB7] =	sst s0;
	s0 =	simm.s32 @!p1 $0x0  }
0x14: {  	s2 =	sld [smem:$0x3F9B];
	s0 =	simm.s32 @p1 $0x1  }
0x15: {  	[smem:$0x3FB8] =	sst s0;
	s0 =	simm.s32 @!p2 $0x0  }
0x16: {  	s3 =	sld [smem:$0x3FDB];
	s0 =	simm.s32 @p2 $0x1  }
0x17: {  	s4 =	simm.s32 $0x1BF5;
	[smem:$0x3FBA] =	sst s0  }
0x18: {  	s0 =	sld [smem:$0x3F9D];
	_ =	swait.ge [sflag:s4], $0x0  }
0x19: {  	s7 =	sld [smem:$0x3F9E]  }
0x1a: {  	s8 =	sadd.s32 $0xFFFFE003, lr  }
0x1b: {  	s9 =	sadd.s32 $0xFFFFFEF7, lr;
	s5 =	simm.s32 $0xFFFFFFFF;
	p2 =	slt.u32 s8, $0xFFFFF086  }
0x1c: {  	p1 =	slt.u32 s9, $0xF7A;
	s5 =	simm.s32 @!p2 $0x0  }
0x1d: {  	s5 =	simm.s32 @p1 $0x1;
	p0 =	seq.s32 s7, s2  }
0x1e: {  	s7 =	smul.u32 @!p0 $0xF7A, s2;
	p2 =	seq.s32 @!p0 s5, $0x0  }
0x1f: {  	s9 =	smul.u32 $0xF7A, s1;
	s8 =	simm.s32 @!p0 $0x1BF5;
	p2 =	por !p2, p0  }
0x20: {  	[sflag:s8] =	ssyncset.s32 @!p0 $0xFFFFF086;
	s6 =	sadd.s32 @!p0 s3, s7;
	s7 =	simm.s32 @!p0 $0x108  }
0x21: {  	s3 =	sadd.s32 s3, s9;
	s6 =	sadd.s32 @!p0 $0x88, s6;
	s7 =	simm.s32 @p2 $0x1082  }
0x22: {  	[simem:s7], [sflag:s8] =	dma.local @!p0 [hbm:s6], $0xF7A  }
0x23: {  	s9 =	sor.u32 $0xD0000000, s2;
	s6 =	simm.s32 $0x108;
	_ =	swait.ge @!p0 [sflag:s8], $0x0  }
0x24: {  	s3 =	sadd.s32 $0x88, s3;
	s6 =	simm.s32 @!p1 $0x1082;
	[sflag:s4] =	ssyncset.s32 $0xFFFFF086  }
0x25: {  	[simem:s6], [sflag:s4] =	dma.local [hbm:s3], $0xF7A  }
0x26: {  	[smem:$0x3F9E] =	sst s1;
	(tag) =	ssettag s2;
	_ =	strace s9  }
0x27: {  	s1 =	sld [smem:$0x3FAE]  }
0x28: {  	s2 =	sld [smem:$0x3FAF]  }
0x29: {  	s4 =	sld [smem:$0x3FB1]  }
0x2a: {  	p0 =	seq.s32 s5, $0x0;
	s5 =	sld [smem:$0x3FB2]  }
0x2b: {  	s6 =	sld [smem:$0x3FB3]  }
0x2c: {  	s7 =	sld [smem:$0x3FB4]  }
0x2d: {  	s3 =	simm.s32 $0x108;
	s8 =	sld [smem:$0x3FB5]  }
0x2e: {  	s3 =	simm.s32 @!p0 $0x1082;
	s9 =	sld [smem:$0x3FB6]  }
0x2f: {  	lr =	sadd.s32 s0, s3;
	s0 =	sld [smem:$0x3FAD]  }
0x30: {  	s3 =	sld [smem:$0x3FB0]  }
0x31: {  	[smem:$0x3FB9] =	sst s10  }
0x32: {  	s10 =	sld [smem:$0x3FB7];
	_ =	sdelay $0x3  }
0x33: {  	p0 =	seq.s32 s10, $0x1;
	s10 =	sld [smem:$0x3FB9];
	_ =	sdelay $0x3  }
0x34: {  	[smem:$0x3FB9] =	sst s10  }
0x35: {  	s10 =	sld [smem:$0x3FB8];
	_ =	sdelay $0x3  }
0x36: {  	p1 =	seq.s32 s10, $0x1;
	s10 =	sld [smem:$0x3FB9];
	_ =	sdelay $0x3  }
0x37: {  	[smem:$0x3FB9] =	sst s10  }
0x38: {  	s10 =	sld [smem:$0x3FBA]  }
0x39: {  	_ = 	snop;
	(pc) =	sbr.ind lr, $3  }
0x3a: {  	_ = 	snop  }
0x3b: {  	_ = 	snop  }
0x3c: {  	p2 =	seq.s32 s10, $0x1;
	s10 =	sld [smem:$0x3FB9]  }
0x3d: {  	_ =	shalt  }
0x3e: {  	_ =	shalt  }
0x3f: {  	_ =	shalt  }
0x40: {  	_ =	shalt  }
0x41: {  	_ =	shalt  }
0x42: {  	_ =	shalt  }
0x43: {  	_ =	shalt  }
0x44: {  	_ =	shalt  }
0x45: {  	_ =	shalt  }
0x46: {  	_ =	shalt  }
0x47: {  	_ =	shalt  }
0x48: {  	_ =	shalt  }
0x49: {  	_ =	shalt  }
0x4a: {  	_ =	shalt  }
0x4b: {  	_ =	shalt  }
0x4c: {  	_ =	shalt  }
0x4d: {  	_ =	shalt  }
0x4e: {  	_ =	shalt  }
0x4f: {  	_ =	shalt  }
0x50: {  	_ =	shalt  }
0x51: {  	_ =	shalt  }
0x52: {  	_ =	shalt  }
0x53: {  	_ =	shalt  }
0x54: {  	_ =	shalt  }
0x55: {  	_ =	shalt  }
0x56: {  	_ =	shalt  }
0x57: {  	_ =	shalt  }
0x58: {  	_ =	shalt  }
0x59: {  	_ =	shalt  }
0x5a: {  	_ =	shalt  }
0x5b: {  	_ =	shalt  }
0x5c: {  	_ =	shalt  }
0x5d: {  	_ =	shalt  }
0x5e: {  	_ =	shalt  }
0x5f: {  	_ =	shalt  }
0x60: {  	_ =	shalt  }
0x61: {  	_ =	shalt  }
0x62: {  	_ =	shalt  }
0x63: {  	_ =	shalt  }
0x64: {  	_ =	shalt  }
0x65: {  	_ =	shalt  }
0x66: {  	_ =	shalt  }
0x67: {  	_ =	shalt  }
0x68: {  	_ =	shalt  }
0x69: {  	_ =	shalt  }
0x6a: {  	_ =	shalt  }
0x6b: {  	_ =	shalt  }
0x6c: {  	_ =	shalt  }
0x6d: {  	_ =	shalt  }
0x6e: {  	_ =	shalt  }
0x6f: {  	_ =	shalt  }
0x70: {  	_ =	shalt  }
0x71: {  	_ =	shalt  }
0x72: {  	_ =	shalt  }
0x73: {  	_ =	shalt  }
0x74: {  	_ =	shalt  }
0x75: {  	_ =	shalt  }
0x76: {  	_ =	shalt  }
0x77: {  	_ =	shalt  }
0x78: {  	_ =	shalt  }
0x79: {  	_ =	shalt  }
0x7a: {  	_ =	shalt  }
0x7b: {  	_ =	shalt  }
0x7c: {  	_ =	shalt  }
0x7d: {  	_ =	shalt  }
0x7e: {  	_ =	shalt  }
0x7f: {  	_ =	shalt  }
0x80: {  	_ =	shalt  }
0x81: {  	_ =	shalt  }
0x82: {  	_ =	shalt  }
0x83: {  	_ =	shalt  }
0x84: {  	_ =	shalt  }
0x85: {  	_ =	shalt  }
0x86: {  	_ =	shalt  }
0x87: {  	_ =	shalt  }
.Lfunc_end0:
.L_simem_size_0:
called_computation.1_lowered:
.L_overlay_start_0:
0x88: {  	s2 =	sld [smem:$0x3FD9]  }
0x89: {  	s3 =	sld [smem:$0x3FFE];
	_ =	sdelay $0x1  }
0x8a: {  	s1 =	srdreg.scid  }
0x8b: {  	s0 =	sand.u32 $0x1, s1  }
0x8c: {  	s17 =	sshll.u32 s0, $0xA;
	s2 =	sadd.s32 s3, s2  }
0x8d: {  	s2 =	sadd.s32 s2, s17  }
0x8e: {  	[smem:$0x3FC5] =	sst s2  }
0x8f: {  	_ = 	snop  }
0x90: {  	s2 =	sld [smem:$0x3FD0];
	(tm) =	ssettm $0x1  }
0x91: {  	s18 =	sld [smem:$0x3FFB];
	_ =	sdelay $0x3  }
0x92: {  	_ =	strace s18  }
0x93: {  	s3 =	sld [smem:$0x3FFC];
	_ =	sdelay $0x3  }
0x94: {  	_ =	strace s3  }
0x95: {  	s3 =	sld [smem:$0x3FFD];
	_ =	sdelay $0x3  }
0x96: {  	_ =	strace s3  }
0x97: {  	_ =	strace $0x8FFFFFFF  }
0x98: {  	s19 =	sld [smem:$0x3FDB];
	_ =	sdelay $0x1  }
0x99: {  	s4 =	simm.s32 $_scs_section_size  }
0x9a: {  	s5 =	simm.s32 $_size__tile_overlayer_lowered;
	s6 =	simm.s32 $_tile_overlayer_lowered  }
0x9b: {  	s22 =	simm.s32 $0x1BFF;
	s21 =	sshll.u32 s6, $0x1;
	s3 =	sadd.s32 s4, s19  }
0x9c: {  	s7 =	simm.s32 $0x0;
	s20 =	sshll.u32 s5, $0x1;
	s5 =	sadd.s32 s21, s3  }
0x9d: {  	[timem:s7], [sflag:s22] =	dma.local [hbm:s5], s20  }
0x9e: {  	_ =	swait.ge [sflag:s22], s20  }
0x9f: {  	s4 =	ssub.s32 $0x0, s20;
	[sflag:s22] =	ssyncset.done $0x0  }
0xa0: {  	[sflag:s22] =	ssyncadd.s32 s4;
	_ =	sdelay $0x1  }
0xa1: {  	s23 =	simm.s32 $0x1B8B  }
0xa2: {  	_ =	swait.ge [sflag:s23], $0x1  }
0xa3: {  	[sflag:s23] =	ssyncset.done $0x0  }
0xa4: {  	s25 =	simm.s32 $0x1B8E;
	s24 =	sld [smem:$0x3FFE];
	[sflag:s23] =	ssyncadd.s32 $0xFFFFFFFF  }
0xa5: {  	s26 =	simm.s32 $execute0_lowered;
	[smem:$0x3FD2] =	sst s25  }
0xa6: {  	s5 =	sshll.u32 s26, $0x1;
	_ =	strace $0x80000049;
	[dreg:$0x1] =	wrdreg $0xFFFFFFFF  }
0xa7: {  	s28 =	simm.s32 $_size_execute0_lowered;
	s3 =	sadd.s32 s3, s5;
	[dreg:$0x0] =	wrdreg $0x0  }
0xa8: {  	s5 =	sshll.u32 s28, $0x1;
	[dreg:$0x2] =	wrdreg s3  }
0xa9: {  	[dreg:$0x3] =	wrdreg s5  }
0xaa: {  	[dreg:$0x4] =	wrdreg $0xC0  }
0xab: {  	_ =	task [dreg:s7], $0x5FFFF  }
0xac: {  	[dreg:$0x1] =	wrdreg $0xFFFFFFFF  }
0xad: {  	[dreg:$0x0] =	wrdreg $0x60  }
0xae: {  	[dreg:$0x2] =	wrdreg s2  }
0xaf: {  	[dreg:$0x3] =	wrdreg s24  }
0xb0: {  	[dreg:$0x4] =	wrdreg $0x14A000  }
0xb1: {  	[dreg:$0x5] =	wrdreg $0x9  }
0xb2: {  	_ =	task.clear_ibuf [dreg:s7], $0x6FFFF;
	_ =	strace $0x90000049  }
0xb3: {  	s29 =	simm.s32 $0x9;
	_ =	strace $0x8000004B  }
0xb4: {  	_ =	swait.ge [sflag:s29], $0x1  }
0xb5: {  	[sflag:s29] =	ssyncadd.s32 $0xFFFFFFFF  }
0xb6: {  	_ =	strace $0x9000004B  }
0xb7: {  	_ =	sfence  }
0xb8: {  	s30 =	sld [smem:$0x0];
	_ =	sdelay $0x2  }
0xb9: {  	s31 =	sshll.u32 s1, $0xD;
	s1 =	sshrl.u32 s1, $0x2  }
0xba: {  	s3 =	sand.u32 $0x4000, s31;
	s1 =	sadd.s32 s1, s30  }
0xbb: {  	s0 =	sor.u32 s3, s0;
	s1 =	sshll.u32 s1, $0x11  }
0xbc: {  	s0 =	sor.u32 s1, s0  }
0xbd: {  	s0 =	sadd.s32 $0x8F2B, s0  }
0xbe: {  	[sflag:s0] =	ssyncadd.remote.s32 $0x1  }
0xbf: {  	_ =	sfence.sel $0xFFFF  }
0xc0: {  	[dreg:$0x0] =	wrdreg $0xFFFFFFFF;
	(pc) =	sbr.abs _section_cstart, $3  }
0xc1: {  	[dreg:$0x1] =	wrdreg $0xFFFFFFFF  }
0xc2: {  	_ =	task.clear_ibuf [dreg:s7], $0x2FFFF;
	_ =	strace $0x9FFFFFFF  }
0xc3: {  	(tm) =	ssettm $0x7FFFFFFF  }
tec
execute0_lowered:
.L_overlay_start_1:
0x0: {  	(tag) =	ssettag $0x1  }
0x1: {  	s1 =	rddreg [dreg:$0x0]  }
0x2: {  	s2 =	rddreg [dreg:$0x1]  }
0x3: {  	s3 =	rddreg [dreg:$0x2];
	s4 =	simm.s32 $0x0  }
0x4: {  	s0 =	srdreg.scid;
	s17 =	stileid.u32;
	s28 =	simm.s32 $0x7  }
0x5: {  	s29 =	simm.s32 $0x8;
	s30 =	simm.s32 $0x9;
	s31 =	simm.s32 $0xA  }
0x6: {  	[smem:$0x7FF] =	sst s4;
	s5 =	sand.u32 $0x1, s0;
	s6 =	smul.u32 $0x13800, s17  }
0x7: {  	s8 =	sadd.s32 $0x1000, s2;
	s10 =	smul.u32 $0x1380, s17;
	s0 =	sadd.s32 $0x6000, s2  }
0x8: {  	s11 =	sadd.s32 $0x10000, s2;
	s24 =	sshll.u32 s17, $0x6;
	s26 =	smul.u32 $0x2800, s17  }
0x9: {  	s16 =	sadd.s32 $0x9C000, s3;
	p0 =	sne.s32 s17, $0xF;
	_ =	strace $0x8000004A  }
0xa: {  	s7 =	smul.u32 $0x13880, s5;
	s9 =	ssub.s32 $0x2, s5;
	s18 =	sor.u32 $0x1C15, s24  }
0xb: {  	[dreg:$0xd] =	wrdreg s16;
	s24 =	smul.u32 $0x500, s17;
	s22 =	sshrl.u32 s9, $0x1  }
0xc: {  	s12 =	sshrl.u32 s6, $0x1;
	s19 =	sshrl.u32 s26, $0x3;
	s13 =	sor.u32 $0x100, s26  }
0xd: {  	s14 =	sor.u32 $0x200, s26;
	s7 =	sadd.s32 s10, s7;
	s10 =	smul.u32 $0x138800, s5  }
0xe: {  	s2 =	ssub.s32 s9, s22;
	s23 =	sadd.s32 s12, s3;
	s5 =	smul.u32 $0x28000, s5  }
0xf: {  	s9 =	sadd.s32 s8, s19;
	s20 =	sshrl.u32 s13, $0x3;
	s21 =	sshrl.u32 s14, $0x3  }
0x10: {  	s22 =	sor.u32 $0x300, s26;
	s12 =	sor.u32 $0x400, s26;
	[dreg:$0xa] =	wrdreg s23  }
0x11: {  	s7 =	sadd.s32 s1, s7;
	[dreg:$0xe] =	wrdreg s9;
	s9 =	sadd.s32 s8, s20  }
0x12: {  	s16 =	sshrl.u32 s22, $0x3;
	s2 =	smax.u32 s2, $0x1;
	[dreg:$0xb] =	wrdreg s7  }
0x13: {  	s25 =	sshrl.u32 s10, $0x4;
	s15 =	sadd.s32 s26, s5;
	[dreg:$0xf] =	wrdreg s9  }
0x14: {  	s13 =	sadd.s32 s5, s13;
	s9 =	sadd.s32 s8, s21;
	s6 =	sadd.s32 s6, s10  }
0x15: {  	s16 =	sadd.s32 s8, s16;
	[dreg:$0x1b] =	wrdreg s2;
	s2 =	smov.u32 s18  }
0x16: {  	s7 =	sadd.s32 $0x13800, s25;
	[dreg:$0x10] =	wrdreg s9;
	s9 =	sadd.s32 s5, s14  }
0x17: {  	s23 =	sadd.s32 $0x900, s15;
	s14 =	sadd.s32 s5, s22;
	s5 =	sadd.s32 s5, s12  }
0x18: {  	s12 =	sshrl.u32 s12, $0x3;
	[dreg:$0x11] =	wrdreg s16;
	s6 =	sshrl.u32 s6, $0x4  }
0x19: {  	s25 =	sadd.s32 s24, s8;
	s26 =	sadd.s32 $0x800, s15;
	s19 =	sshrl.u32 s15, $0x3  }
0x1a: {  	s20 =	sor.u32 $0x700, s15;
	s21 =	sshrl.u32 s13, $0x3;
	[dreg:$0xc] =	wrdreg s2  }
0x1b: {  	s10 =	sshrl.u32 s23, $0x3;
	s12 =	sadd.s32 s8, s12;
	[dreg:$0x5] =	wrdreg s25  }
0x1c: {  	s6 =	sadd.s32 s11, s6;
	s16 =	sshrl.u32 s26, $0x3;
	[dreg:$0x12] =	wrdreg s12  }
0x1d: {  	s22 =	sshrl.u32 s9, $0x3;
	s10 =	sadd.s32 s10, s0;
	[dreg:$0x13] =	wrdreg s6  }
0x1e: {  	s24 =	sshrl.u32 s14, $0x3;
	s12 =	sadd.s32 s11, s7;
	[dreg:$0x4] =	wrdreg s10  }
0x1f: {  	s25 =	sor.u32 $0x600, s15;
	s7 =	sadd.s32 s1, s7;
	[dreg:$0x14] =	wrdreg s12  }
0x20: {  	s26 =	sor.u32 $0x500, s15;
	s6 =	sadd.s32 s0, s19;
	[dreg:$0x15] =	wrdreg s7  }
0x21: {  	s5 =	sshrl.u32 s5, $0x3;
	s23 =	sadd.s32 s0, s22;
	[dreg:$0x16] =	wrdreg s6  }
0x22: {  	s9 =	simm.s32 $0x15;
	s5 =	sadd.s32 s0, s5;
	[dreg:$0x18] =	wrdreg s23  }
0x23: {  	s22 =	simm.s32 $0x4;
	s7 =	sadd.s32 s16, s0;
	[dreg:$0x1a] =	wrdreg s5  }
0x24: {  	s6 =	sshrl.u32 s20, $0x3;
	[dreg:$0x6] =	wrdreg s7;
	s7 =	sadd.s32 s0, s21  }
0x25: {  	s23 =	simm.s32 $0xE;
	s6 =	sadd.s32 s6, s0;
	[dreg:$0x17] =	wrdreg s7  }
0x26: {  	s5 =	simm.s32 $0x0;
	s21 =	simm.s32 $0xD;
	[dreg:$0x7] =	wrdreg s6  }
0x27: {  	s7 =	sadd.s32 s0, s24;
	s6 =	sshrl.u32 s25, $0x3;
	s25 =	simm.s32 $0x100  }
0x28: {  	[dreg:$0x19] =	wrdreg s7;
	s6 =	sadd.s32 s6, s0;
	s7 =	sshrl.u32 s26, $0x3  }
0x29: {  	s24 =	simm.s32 $0xF;
	[dreg:$0x8] =	wrdreg s6;
	s0 =	sadd.s32 s7, s0  }
0x2a: {  	s26 =	simm.s32 $0x6;
	s7 =	simm.s32 $0x5;
	[dreg:$0x9] =	wrdreg s0  }
.LBB2_1:
0x2b: {  	[dreg:$0x1c] =	wrdreg s5  }
0x2c: {  	s0 =	rddreg [dreg:$0xa]  }
0x2d: {  	s10 =	rddreg [dreg:$0xb];
	s8 =	sshrl.u32 s0, $0x3  }
0x2e: {  	[dreg:$0x1d] =	wrdreg s8  }
0x2f: {  	[spmem:s8], [sflag:s2] =	dma.local [hbm:s10], $0x1380  }
0x30: {  	_ =	swait.ge [sflag:s9], $0x1380  }
0x31: {  	s0 =	rddreg [dreg:$0xd]  }
0x32: {  	[sflag:s9] =	ssyncset.done $0x0;
	s5 =	sshrl.u32 @!p0 s0, $0x3;
	s0 =	rddreg [dreg:$0x15]  }
0x33: {  	[sflag:s9] =	ssyncadd.s32 $0xFFFFEC80;
	[dreg:$0x1e] =	wrdreg s5  }
0x34: {  	[spmem:s5], [sflag:s2] =	dma.local @!p0 [hbm:s0], $0x80  }
0x35: {  	s0 =	simm.s32 @!p0 $0x15  }
0x36: {  	_ =	swait.ge @!p0 [sflag:s0], $0x80  }
0x37: {  	[sflag:s0] =	ssyncset.done @!p0 $0x0  }
0x38: {  	[sflag:s0] =	ssyncadd.s32 @!p0 $0xFFFFFF80  }
0x39: {  	[bflag:$0x0] =	sbarrier.arrive $0xFFFF  }
0x3a: {  	s11 =	rddreg [dreg:$0xe]  }
0x3b: {  	[tilespmem:s4], [sflag:$0xB] =	stream.linear.gather [hbm4b:s11+s4], $0x100, $0x38;
	[tilespmem:$0x1E660] =	vst v63  }
0x3c: {  	s9 =	simm.s32 $0x500;
	s12 =	rddreg [dreg:$0x16]  }
0x3d: {  	[tilespmem:s9], [sflag:$0x10] =	stream.linear.gather [hbm4b:s12+s4], $0x100, $0x38;
	[tilespmem:$0x1E660] =	vst v63  }
0x3e: {  	s13 =	rddreg [dreg:$0xf]  }
0x3f: {  	[tilespmem:s25], [sflag:$0xC] =	stream.linear.gather [hbm4b:s13+s4], $0x100, $0x38;
	[tilespmem:$0x1E660] =	vst v63  }
0x40: {  	s14 =	rddreg [dreg:$0x17];
	s12 =	simm.s32 $0x600  }
0x41: {  	[tilespmem:s12], [sflag:$0x11] =	stream.linear.gather [hbm4b:s14+s4], $0x100, $0x38;
	[tilespmem:$0x1E660] =	vst v63  }
0x42: {  	s16 =	simm.s32 $0x200;
	s15 =	rddreg [dreg:$0x10]  }
0x43: {  	[tilespmem:s16], [sflag:$0xD] =	stream.linear.gather [hbm4b:s15+s4], $0x100, $0x38;
	[tilespmem:$0x1E660] =	vst v63  }
0x44: {  	s17 =	rddreg [dreg:$0x18];
	s13 =	simm.s32 $0x700  }
0x45: {  	[tilespmem:s13], [sflag:$0x12] =	stream.linear.gather [hbm4b:s17+s4], $0x100, $0x38;
	[tilespmem:$0x1E660] =	vst v63  }
0x46: {  	s19 =	simm.s32 $0x300;
	s18 =	rddreg [dreg:$0x11]  }
0x47: {  	[tilespmem:s19], [sflag:$0xE] =	stream.linear.gather [hbm4b:s18+s4], $0x100, $0x38;
	[tilespmem:$0x1E660] =	vst v63  }
0x48: {  	s20 =	rddreg [dreg:$0x19];
	s18 =	simm.s32 $0x800  }
0x49: {  	[tilespmem:s18], [sflag:$0x13] =	stream.linear.gather [hbm4b:s20+s4], $0x100, $0x38;
	[tilespmem:$0x1E660] =	vst v63  }
0x4a: {  	s5 =	simm.s32 $0x400;
	s2 =	rddreg [dreg:$0x12]  }
0x4b: {  	[tilespmem:s5], [sflag:$0xF] =	stream.linear.gather [hbm4b:s2+s4], $0x100, $0x38;
	[tilespmem:$0x1E660] =	vst v63  }
0x4c: {  	s8 =	simm.s32 $0x900;
	s6 =	rddreg [dreg:$0x1a];
	s14 =	simm.s32 $0x10  }
0x4d: {  	[tilespmem:s8], [sflag:$0x14] =	stream.linear.gather [hbm4b:s6+s4], $0x100, $0x38;
	[tilespmem:$0x1E660] =	vst v63  }
0x4e: {  	_ =	swait.ge [sflag:s14], $0x100  }
0x4f: {  	[sflag:s14] =	ssyncset.done $0x0  }
0x50: {  	s15 =	simm.s32 $0xA00;
	s16 =	simm.s32 $0x11;
	[sflag:s14] =	ssyncadd.s32 $0xFFFFFF00  }
0x51: {  	[tilespmem:s15], [sflag:$0x1] =	stream.indirect.gather [hbm4b:s1+s25], $0x40, s9, s25, $0xb8;
	[tilespmem:$0x1E660] =	vst v63  }
0x52: {  	_ =	swait.ge [sflag:s16], $0x100  }
0x53: {  	[sflag:s16] =	ssyncset.done $0x0  }
0x54: {  	s17 =	simm.s32 $0x4A00;
	s5 =	simm.s32 $0x12;
	[sflag:s16] =	ssyncadd.s32 $0xFFFFFF00  }
0x55: {  	[tilespmem:s17], [sflag:$0x2] =	stream.indirect.gather [hbm4b:s1+s25], $0x40, s12, s25, $0xb8;
	[tilespmem:$0x1E660] =	vst v63  }
0x56: {  	_ =	swait.ge [sflag:s5], $0x100  }
0x57: {  	[sflag:s5] =	ssyncset.done $0x0  }
0x58: {  	s10 =	simm.s32 $0x8A00;
	s6 =	simm.s32 $0x13;
	[sflag:s5] =	ssyncadd.s32 $0xFFFFFF00  }
0x59: {  	[tilespmem:s10], [sflag:$0x3] =	stream.indirect.gather [hbm4b:s1+s25], $0x40, s13, s25, $0xb8;
	[tilespmem:$0x1E660] =	vst v63  }
0x5a: {  	_ =	swait.ge [sflag:s6], $0x100  }
0x5b: {  	[sflag:s6] =	ssyncset.done $0x0  }
0x5c: {  	s11 =	simm.s32 $0xCA00;
	s8 =	simm.s32 $0x14;
	[sflag:s6] =	ssyncadd.s32 $0xFFFFFF00  }
0x5d: {  	[tilespmem:s11], [sflag:$0x4] =	stream.indirect.gather [hbm4b:s1+s25], $0x40, s18, s25, $0xb8;
	[tilespmem:$0x1E660] =	vst v63  }
0x5e: {  	_ =	swait.ge [sflag:s8], $0x100  }
0x5f: {  	[sflag:s8] =	ssyncset.done $0x0  }
0x60: {  	s20 =	simm.s32 $0x10A00;
	s2 =	simm.s32 $0x900;
	[sflag:s8] =	ssyncadd.s32 $0xFFFFFF00  }
0x61: {  	[tilespmem:s20], [sflag:$0x5] =	stream.indirect.gather [hbm4b:s1+s25], $0x40, s2, s25, $0xb8;
	[tilespmem:$0x1E660] =	vst v63  }
0x62: {  	s20 =	simm.s32 $0x1  }
0x63: {  	_ =	swait.ge [sflag:s20], $0x4000  }
0x64: {  	[sflag:s20] =	ssyncset.done $0x0  }
0x65: {  	s10 =	simm.s32 $0xB;
	[sflag:s20] =	ssyncadd.s32 $0xFFFFC000  }
0x66: {  	_ =	swait.ge [sflag:s10], $0x100  }
0x67: {  	[sflag:s10] =	ssyncset.done $0x0  }
0x68: {  	s2 =	rddreg [dreg:$0x9];
	[sflag:s10] =	ssyncadd.s32 $0xFFFFFF00  }
0x69: {  	[spmem:s3] =	stream.indirect.scatter.add.bf16 [tilespmem:s15], [sflag:$0x6], $0x40, s4, s25, $0xb8;
	[tilespmem:$0x1E660] =	vst v63  }
0x6a: {  	s0 =	sadd.s32 $0x0, s2;
	s2 =	simm.s32 $0x2  }
0x6b: {  	[tilespmem:s9], [sflag:$0x10] =	stream.linear.gather [hbm4b:s0+s4], $0x100, $0x38;
	[tilespmem:$0x1E660] =	vst v63  }
0x6c: {  	_ =	swait.ge [sflag:s2], $0x4000  }
0x6d: {  	[sflag:s2] =	ssyncset.done $0x0  }
0x6e: {  	[sflag:s2] =	ssyncadd.s32 $0xFFFFC000;
	s2 =	simm.s32 $0xC  }
0x6f: {  	_ =	swait.ge [sflag:s2], $0x100  }
0x70: {  	[sflag:s2] =	ssyncset.done $0x0  }
0x71: {  	s0 =	rddreg [dreg:$0x8];
	[sflag:s2] =	ssyncadd.s32 $0xFFFFFF00  }
0x72: {  	[spmem:s3] =	stream.indirect.scatter.add.bf16 [tilespmem:s17], [sflag:$0x7], $0x40, s25, s25, $0xb8;
	[tilespmem:$0x1E660] =	vst v63  }
0x73: {  	s0 =	sadd.s32 $0x0, s0;
	s2 =	simm.s32 $0x3  }
0x74: {  	[tilespmem:s12], [sflag:$0x11] =	stream.linear.gather [hbm4b:s0+s4], $0x100, $0x38;
	[tilespmem:$0x1E660] =	vst v63  }
0x75: {  	_ =	swait.ge [sflag:s2], $0x4000  }
0x76: {  	[sflag:s2] =	ssyncset.done $0x0  }
0x77: {  	[sflag:s2] =	ssyncadd.s32 $0xFFFFC000  }
0x78: {  	_ =	swait.ge [sflag:s21], $0x100  }
0x79: {  	s19 =	simm.s32 $0x8A00;
	[sflag:s21] =	ssyncset.done $0x0  }
0x7a: {  	s2 =	simm.s32 $0x200;
	s0 =	rddreg [dreg:$0x7];
	[sflag:s21] =	ssyncadd.s32 $0xFFFFFF00  }
0x7b: {  	[spmem:s3] =	stream.indirect.scatter.add.bf16 [tilespmem:s19], [sflag:$0x8], $0x40, s2, s25, $0xb8;
	[tilespmem:$0x1E660] =	vst v63  }
0x7c: {  	s0 =	sadd.s32 $0x0, s0  }
0x7d: {  	[tilespmem:s13], [sflag:$0x12] =	stream.linear.gather [hbm4b:s0+s4], $0x100, $0x38;
	[tilespmem:$0x1E660] =	vst v63  }
0x7e: {  	_ =	swait.ge [sflag:s22], $0x4000  }
0x7f: {  	[sflag:s22] =	ssyncset.done $0x0  }
0x80: {  	[sflag:s22] =	ssyncadd.s32 $0xFFFFC000  }
0x81: {  	_ =	swait.ge [sflag:s23], $0x100  }
0x82: {  	s11 =	simm.s32 $0xCA00;
	[sflag:s23] =	ssyncset.done $0x0  }
0x83: {  	s19 =	simm.s32 $0x300;
	s0 =	rddreg [dreg:$0x6];
	[sflag:s23] =	ssyncadd.s32 $0xFFFFFF00  }
0x84: {  	[spmem:s3] =	stream.indirect.scatter.add.bf16 [tilespmem:s11], [sflag:$0x9], $0x40, s19, s25, $0xb8;
	[tilespmem:$0x1E660] =	vst v63  }
0x85: {  	s0 =	sadd.s32 $0x0, s0  }
0x86: {  	[tilespmem:s18], [sflag:$0x13] =	stream.linear.gather [hbm4b:s0+s4], $0x100, $0x38;
	[tilespmem:$0x1E660] =	vst v63  }
0x87: {  	_ =	swait.ge [sflag:s7], $0x4000  }
0x88: {  	[sflag:s7] =	ssyncset.done $0x0  }
0x89: {  	[sflag:s7] =	ssyncadd.s32 $0xFFFFC000  }
0x8a: {  	_ =	swait.ge [sflag:s24], $0x100  }
0x8b: {  	s19 =	simm.s32 $0x400;
	[sflag:s24] =	ssyncset.done $0x0  }
0x8c: {  	s11 =	simm.s32 $0x10A00;
	s0 =	rddreg [dreg:$0x4];
	[sflag:s24] =	ssyncadd.s32 $0xFFFFFF00  }
0x8d: {  	[spmem:s3] =	stream.indirect.scatter.add.bf16 [tilespmem:s11], [sflag:$0xA], $0x40, s19, s25, $0xb8;
	[tilespmem:$0x1E660] =	vst v63  }
0x8e: {  	s0 =	sadd.s32 $0x0, s0;
	s11 =	simm.s32 $0x900  }
0x8f: {  	[tilespmem:s11], [sflag:$0x14] =	stream.linear.gather [hbm4b:s0+s4], $0x100, $0x38;
	[tilespmem:$0x1E660] =	vst v63  }
0x90: {  	_ =	swait.ge [sflag:s26], $0x4000  }
0x91: {  	s2 =	rddreg [dreg:$0x5]  }
0x92: {  	[sflag:s26] =	ssyncset.done $0x0;
	s0 =	sadd.s32 $0x0, s2  }
0x93: {  	[sflag:s26] =	ssyncadd.s32 $0xFFFFC000;
	s2 =	sadd.s32 $0xA0, s0  }
0x94: {  	[tilespmem:s4], [sflag:$0xB] =	stream.linear.gather [hbm4b:s2+s4], $0x100, $0x38;
	[tilespmem:$0x1E660] =	vst v63  }
0x95: {  	_ =	swait.ge [sflag:s14], $0x100  }
0x96: {  	[sflag:s14] =	ssyncset.done $0x0  }
0x97: {  	[sflag:s14] =	ssyncadd.s32 $0xFFFFFF00  }
0x98: {  	[tilespmem:s15], [sflag:$0x1] =	stream.indirect.gather [hbm4b:s1+s25], $0x40, s9, s25, $0xb8;
	[tilespmem:$0x1E660] =	vst v63  }
0x99: {  	_ =	swait.ge [sflag:s28], $0x4000  }
0x9a: {  	[sflag:s28] =	ssyncset.done $0x0  }
0x9b: {  	s15 =	sadd.s32 $0xC0, s0;
	[sflag:s28] =	ssyncadd.s32 $0xFFFFC000  }
0x9c: {  	[tilespmem:s25], [sflag:$0xC] =	stream.linear.gather [hbm4b:s15+s4], $0x100, $0x38;
	[tilespmem:$0x1E660] =	vst v63  }
0x9d: {  	_ =	swait.ge [sflag:s16], $0x100  }
0x9e: {  	[sflag:s16] =	ssyncset.done $0x0  }
0x9f: {  	[sflag:s16] =	ssyncadd.s32 $0xFFFFFF00  }
0xa0: {  	[tilespmem:s17], [sflag:$0x2] =	stream.indirect.gather [hbm4b:s1+s25], $0x40, s12, s25, $0xb8;
	[tilespmem:$0x1E660] =	vst v63  }
0xa1: {  	_ =	swait.ge [sflag:s29], $0x4000  }
0xa2: {  	[sflag:s29] =	ssyncset.done $0x0  }
0xa3: {  	s9 =	sadd.s32 $0xE0, s0;
	s12 =	simm.s32 $0x200;
	[sflag:s29] =	ssyncadd.s32 $0xFFFFC000  }
0xa4: {  	[tilespmem:s12], [sflag:$0xD] =	stream.linear.gather [hbm4b:s9+s4], $0x100, $0x38;
	[tilespmem:$0x1E660] =	vst v63  }
0xa5: {  	_ =	swait.ge [sflag:s5], $0x100  }
0xa6: {  	[sflag:s5] =	ssyncset.done $0x0  }
0xa7: {  	s14 =	simm.s32 $0x8A00;
	[sflag:s5] =	ssyncadd.s32 $0xFFFFFF00  }
0xa8: {  	[tilespmem:s14], [sflag:$0x3] =	stream.indirect.gather [hbm4b:s1+s25], $0x40, s13, s25, $0xb8;
	[tilespmem:$0x1E660] =	vst v63  }
0xa9: {  	_ =	swait.ge [sflag:s30], $0x4000  }
0xaa: {  	[sflag:s30] =	ssyncset.done $0x0  }
0xab: {  	s15 =	sadd.s32 $0x100, s0;
	s16 =	simm.s32 $0x300;
	[sflag:s30] =	ssyncadd.s32 $0xFFFFC000  }
0xac: {  	[tilespmem:s16], [sflag:$0xE] =	stream.linear.gather [hbm4b:s15+s4], $0x100, $0x38;
	[tilespmem:$0x1E660] =	vst v63  }
0xad: {  	_ =	swait.ge [sflag:s6], $0x100  }
0xae: {  	[sflag:s6] =	ssyncset.done $0x0  }
0xaf: {  	s17 =	simm.s32 $0xCA00;
	[sflag:s6] =	ssyncadd.s32 $0xFFFFFF00  }
0xb0: {  	[tilespmem:s17], [sflag:$0x4] =	stream.indirect.gather [hbm4b:s1+s25], $0x40, s18, s25, $0xb8;
	[tilespmem:$0x1E660] =	vst v63  }
0xb1: {  	_ =	swait.ge [sflag:s31], $0x4000  }
0xb2: {  	[sflag:s31] =	ssyncset.done $0x0  }
0xb3: {  	s0 =	sadd.s32 $0x120, s0;
	s18 =	simm.s32 $0x400;
	[sflag:s31] =	ssyncadd.s32 $0xFFFFC000  }
0xb4: {  	[tilespmem:s18], [sflag:$0xF] =	stream.linear.gather [hbm4b:s0+s4], $0x100, $0x38;
	[tilespmem:$0x1E660] =	vst v63  }
0xb5: {  	_ =	swait.ge [sflag:s8], $0x100  }
0xb6: {  	[sflag:s8] =	ssyncset.done $0x0  }
0xb7: {  	s19 =	simm.s32 $0x10A00;
	[sflag:s8] =	ssyncadd.s32 $0xFFFFFF00  }
0xb8: {  	[tilespmem:s19], [sflag:$0x5] =	stream.indirect.gather [hbm4b:s1+s25], $0x40, s11, s25, $0xb8;
	[tilespmem:$0x1E660] =	vst v63  }
0xb9: {  	_ =	swait.ge [sflag:s20], $0x4000  }
0xba: {  	[sflag:s20] =	ssyncset.done $0x0  }
0xbb: {  	[sflag:s20] =	ssyncadd.s32 $0xFFFFC000  }
0xbc: {  	_ =	swait.ge [sflag:s10], $0x100  }
0xbd: {  	s2 =	simm.s32 $0x140;
	[sflag:s10] =	ssyncset.done $0x0  }
0xbe: {  	s0 =	simm.s32 $0xA0;
	s9 =	rddreg [dreg:$0x9];
	[sflag:s10] =	ssyncadd.s32 $0xFFFFFF00  }
.LBB2_2:
0xbf: {  	s16 =	simm.s32 $0xA00  }
0xc0: {  	[spmem:s3] =	stream.indirect.scatter.add.bf16 [tilespmem:s16], [sflag:$0x6], $0x40, s4, s25, $0xb8;
	[tilespmem:$0x1E660] =	vst v63  }
0xc1: {  	s9 =	sadd.s32 s0, s9;
	s11 =	simm.s32 $0x500;
	s5 =	simm.s32 $0x2  }
0xc2: {  	[tilespmem:s11], [sflag:$0x10] =	stream.linear.gather [hbm4b:s9+s4], $0x100, $0x38;
	[tilespmem:$0x1E660] =	vst v63  }
0xc3: {  	_ =	swait.ge [sflag:s5], $0x4000  }
0xc4: {  	[sflag:s5] =	ssyncset.done $0x0  }
0xc5: {  	s20 =	simm.s32 $0xC;
	[sflag:s5] =	ssyncadd.s32 $0xFFFFC000  }
0xc6: {  	_ =	swait.ge [sflag:s20], $0x100  }
0xc7: {  	[sflag:s20] =	ssyncset.done $0x0  }
0xc8: {  	s17 =	simm.s32 $0x4A00;
	s8 =	rddreg [dreg:$0x8];
	[sflag:s20] =	ssyncadd.s32 $0xFFFFFF00  }
0xc9: {  	[spmem:s3] =	stream.indirect.scatter.add.bf16 [tilespmem:s17], [sflag:$0x7], $0x40, s25, s25, $0xb8;
	[tilespmem:$0x1E660] =	vst v63  }
0xca: {  	s13 =	simm.s32 $0x600;
	s9 =	sadd.s32 s0, s8  }
0xcb: {  	[tilespmem:s13], [sflag:$0x11] =	stream.linear.gather [hbm4b:s9+s4], $0x100, $0x38;
	[tilespmem:$0x1E660] =	vst v63  }
0xcc: {  	s9 =	simm.s32 $0x3  }
0xcd: {  	_ =	swait.ge [sflag:s9], $0x4000  }
0xce: {  	[sflag:s9] =	ssyncset.done $0x0  }
0xcf: {  	[sflag:s9] =	ssyncadd.s32 $0xFFFFC000  }
0xd0: {  	_ =	swait.ge [sflag:s21], $0x100  }
0xd1: {  	s15 =	simm.s32 $0x200;
	[sflag:s21] =	ssyncset.done $0x0  }
0xd2: {  	s18 =	simm.s32 $0x8A00;
	s10 =	rddreg [dreg:$0x7];
	[sflag:s21] =	ssyncadd.s32 $0xFFFFFF00  }
0xd3: {  	[spmem:s3] =	stream.indirect.scatter.add.bf16 [tilespmem:s18], [sflag:$0x8], $0x40, s15, s25, $0xb8;
	[tilespmem:$0x1E660] =	vst v63  }
0xd4: {  	s5 =	simm.s32 $0x700;
	s9 =	sadd.s32 s0, s10  }
0xd5: {  	[tilespmem:s5], [sflag:$0x12] =	stream.linear.gather [hbm4b:s9+s4], $0x100, $0x38;
	[tilespmem:$0x1E660] =	vst v63  }
0xd6: {  	_ =	swait.ge [sflag:s22], $0x4000  }
0xd7: {  	[sflag:s22] =	ssyncset.done $0x0  }
0xd8: {  	[sflag:s22] =	ssyncadd.s32 $0xFFFFC000  }
0xd9: {  	_ =	swait.ge [sflag:s23], $0x100  }
0xda: {  	s19 =	simm.s32 $0xCA00;
	[sflag:s23] =	ssyncset.done $0x0  }
0xdb: {  	s8 =	simm.s32 $0x300;
	s12 =	rddreg [dreg:$0x6];
	[sflag:s23] =	ssyncadd.s32 $0xFFFFFF00  }
0xdc: {  	[spmem:s3] =	stream.indirect.scatter.add.bf16 [tilespmem:s19], [sflag:$0x9], $0x40, s8, s25, $0xb8;
	[tilespmem:$0x1E660] =	vst v63  }
0xdd: {  	s10 =	simm.s32 $0x800;
	s9 =	sadd.s32 s0, s12  }
0xde: {  	[tilespmem:s10], [sflag:$0x13] =	stream.linear.gather [hbm4b:s9+s4], $0x100, $0x38;
	[tilespmem:$0x1E660] =	vst v63  }
0xdf: {  	_ =	swait.ge [sflag:s7], $0x4000  }
0xe0: {  	[sflag:s7] =	ssyncset.done $0x0  }
0xe1: {  	[sflag:s7] =	ssyncadd.s32 $0xFFFFC000  }
0xe2: {  	_ =	swait.ge [sflag:s24], $0x100  }
0xe3: {  	s20 =	simm.s32 $0x10A00;
	[sflag:s24] =	ssyncset.done $0x0  }
0xe4: {  	s12 =	simm.s32 $0x400;
	s14 =	rddreg [dreg:$0x4];
	[sflag:s24] =	ssyncadd.s32 $0xFFFFFF00  }
0xe5: {  	[spmem:s3] =	stream.indirect.scatter.add.bf16 [tilespmem:s20], [sflag:$0xA], $0x40, s12, s25, $0xb8;
	[tilespmem:$0x1E660] =	vst v63  }
0xe6: {  	s9 =	sadd.s32 s0, s14;
	s14 =	simm.s32 $0x900  }
0xe7: {  	[tilespmem:s14], [sflag:$0x14] =	stream.linear.gather [hbm4b:s9+s4], $0x100, $0x38;
	[tilespmem:$0x1E660] =	vst v63  }
0xe8: {  	_ =	swait.ge [sflag:s26], $0x4000  }
0xe9: {  	s9 =	rddreg [dreg:$0x5]  }
0xea: {  	s6 =	smov.u32 s2;
	[sflag:s26] =	ssyncset.done $0x0;
	s9 =	sadd.s32 s0, s9  }
0xeb: {  	s0 =	smov.u32 s6;
	[sflag:s26] =	ssyncadd.s32 $0xFFFFC000;
	s6 =	sadd.s32 $0xA0, s9  }
0xec: {  	[tilespmem:s4], [sflag:$0xB] =	stream.linear.gather [hbm4b:s6+s4], $0x100, $0x38;
	[tilespmem:$0x1E660] =	vst v63  }
0xed: {  	s6 =	simm.s32 $0x10  }
0xee: {  	_ =	swait.ge [sflag:s6], $0x100  }
0xef: {  	[sflag:s6] =	ssyncset.done $0x0  }
0xf0: {  	[sflag:s6] =	ssyncadd.s32 $0xFFFFFF00  }
0xf1: {  	[tilespmem:s16], [sflag:$0x1] =	stream.indirect.gather [hbm4b:s1+s25], $0x40, s11, s25, $0xb8;
	[tilespmem:$0x1E660] =	vst v63  }
0xf2: {  	_ =	swait.ge [sflag:s28], $0x4000  }
0xf3: {  	[sflag:s28] =	ssyncset.done $0x0  }
0xf4: {  	s11 =	sadd.s32 $0xC0, s9;
	s16 =	simm.s32 $0x11;
	[sflag:s28] =	ssyncadd.s32 $0xFFFFC000  }
0xf5: {  	[tilespmem:s25], [sflag:$0xC] =	stream.linear.gather [hbm4b:s11+s4], $0x100, $0x38;
	[tilespmem:$0x1E660] =	vst v63  }
0xf6: {  	_ =	swait.ge [sflag:s16], $0x100  }
0xf7: {  	[sflag:s16] =	ssyncset.done $0x0  }
0xf8: {  	[sflag:s16] =	ssyncadd.s32 $0xFFFFFF00  }
0xf9: {  	[tilespmem:s17], [sflag:$0x2] =	stream.indirect.gather [hbm4b:s1+s25], $0x40, s13, s25, $0xb8;
	[tilespmem:$0x1E660] =	vst v63  }
0xfa: {  	_ =	swait.ge [sflag:s29], $0x4000  }
0xfb: {  	[sflag:s29] =	ssyncset.done $0x0  }
0xfc: {  	s11 =	sadd.s32 $0xE0, s9;
	s13 =	simm.s32 $0x12;
	[sflag:s29] =	ssyncadd.s32 $0xFFFFC000  }
0xfd: {  	[tilespmem:s15], [sflag:$0xD] =	stream.linear.gather [hbm4b:s11+s4], $0x100, $0x38;
	[tilespmem:$0x1E660] =	vst v63  }
0xfe: {  	_ =	swait.ge [sflag:s13], $0x100  }
0xff: {  	[sflag:s13] =	ssyncset.done $0x0  }
0x100: {  	[sflag:s13] =	ssyncadd.s32 $0xFFFFFF00  }
0x101: {  	[tilespmem:s18], [sflag:$0x3] =	stream.indirect.gather [hbm4b:s1+s25], $0x40, s5, s25, $0xb8;
	[tilespmem:$0x1E660] =	vst v63  }
0x102: {  	_ =	swait.ge [sflag:s30], $0x4000  }
0x103: {  	[sflag:s30] =	ssyncset.done $0x0  }
0x104: {  	s16 =	simm.s32 $0x13;
	s15 =	sadd.s32 $0x100, s9;
	[sflag:s30] =	ssyncadd.s32 $0xFFFFC000  }
0x105: {  	[tilespmem:s8], [sflag:$0xE] =	stream.linear.gather [hbm4b:s15+s4], $0x100, $0x38;
	[tilespmem:$0x1E660] =	vst v63  }
0x106: {  	_ =	swait.ge [sflag:s16], $0x100  }
0x107: {  	[sflag:s16] =	ssyncset.done $0x0  }
0x108: {  	[sflag:s16] =	ssyncadd.s32 $0xFFFFFF00  }
0x109: {  	[tilespmem:s19], [sflag:$0x4] =	stream.indirect.gather [hbm4b:s1+s25], $0x40, s10, s25, $0xb8;
	[tilespmem:$0x1E660] =	vst v63  }
0x10a: {  	_ =	swait.ge [sflag:s31], $0x4000  }
0x10b: {  	[sflag:s31] =	ssyncset.done $0x0  }
0x10c: {  	s17 =	sadd.s32 $0x120, s9;
	s18 =	simm.s32 $0x14;
	[sflag:s31] =	ssyncadd.s32 $0xFFFFC000  }
0x10d: {  	[tilespmem:s12], [sflag:$0xF] =	stream.linear.gather [hbm4b:s17+s4], $0x100, $0x38;
	[tilespmem:$0x1E660] =	vst v63  }
0x10e: {  	_ =	swait.ge [sflag:s18], $0x100  }
0x10f: {  	[sflag:s18] =	ssyncset.done $0x0  }
0x110: {  	s19 =	simm.s32 $0x1;
	[sflag:s18] =	ssyncadd.s32 $0xFFFFFF00  }
0x111: {  	[tilespmem:s20], [sflag:$0x5] =	stream.indirect.gather [hbm4b:s1+s25], $0x40, s14, s25, $0xb8;
	[tilespmem:$0x1E660] =	vst v63  }
0x112: {  	p1 =	sne.s32 s2, $0x3C0;
	_ =	swait.ge [sflag:s19], $0x4000  }
.Ltmp0:
0x113: {  	[sflag:s19] =	ssyncset.done $0x0;
	(pc) =	sbr.rel @p1 .LBB2_2-.Ltmp0, $4  }
0x114: {  	s20 =	simm.s32 $0xB;
	[sflag:s19] =	ssyncadd.s32 $0xFFFFC000  }
0x115: {  	_ =	swait.ge [sflag:s20], $0x100  }
0x116: {  	[sflag:s20] =	ssyncset.done $0x0  }
0x117: {  	s2 =	sadd.s32 $0xA0, s2;
	s9 =	rddreg [dreg:$0x9];
	[sflag:s20] =	ssyncadd.s32 $0xFFFFFF00  }
0x118: {  	s2 =	simm.s32 $0xA00  }
0x119: {  	[spmem:s3] =	stream.indirect.scatter.add.bf16 [tilespmem:s2], [sflag:$0x6], $0x40, s4, s25, $0xb8;
	[tilespmem:$0x1E660] =	vst v63  }
0x11a: {  	s8 =	sadd.s32 s0, s9;
	s11 =	simm.s32 $0x500;
	s19 =	simm.s32 $0x2  }
0x11b: {  	[tilespmem:s11], [sflag:$0x10] =	stream.linear.gather [hbm4b:s8+s4], $0x100, $0x38;
	[tilespmem:$0x1E660] =	vst v63  }
0x11c: {  	_ =	swait.ge [sflag:s19], $0x4000  }
0x11d: {  	[sflag:s19] =	ssyncset.done $0x0  }
0x11e: {  	s20 =	simm.s32 $0xC;
	[sflag:s19] =	ssyncadd.s32 $0xFFFFC000  }
0x11f: {  	_ =	swait.ge [sflag:s20], $0x100  }
0x120: {  	[sflag:s20] =	ssyncset.done $0x0  }
0x121: {  	s5 =	simm.s32 $0x4A00;
	s9 =	rddreg [dreg:$0x8];
	[sflag:s20] =	ssyncadd.s32 $0xFFFFFF00  }
0x122: {  	[spmem:s3] =	stream.indirect.scatter.add.bf16 [tilespmem:s5], [sflag:$0x7], $0x40, s25, s25, $0xb8;
	[tilespmem:$0x1E660] =	vst v63  }
0x123: {  	s2 =	sadd.s32 s0, s9;
	s9 =	simm.s32 $0x600;
	s5 =	simm.s32 $0x3  }
0x124: {  	[tilespmem:s9], [sflag:$0x11] =	stream.linear.gather [hbm4b:s2+s4], $0x100, $0x38;
	[tilespmem:$0x1E660] =	vst v63  }
0x125: {  	_ =	swait.ge [sflag:s5], $0x4000  }
0x126: {  	[sflag:s5] =	ssyncset.done $0x0  }
0x127: {  	[sflag:s5] =	ssyncadd.s32 $0xFFFFC000  }
0x128: {  	_ =	swait.ge [sflag:s21], $0x100  }
0x129: {  	s15 =	simm.s32 $0x200;
	[sflag:s21] =	ssyncset.done $0x0  }
0x12a: {  	s16 =	simm.s32 $0x8A00;
	s10 =	rddreg [dreg:$0x7];
	[sflag:s21] =	ssyncadd.s32 $0xFFFFFF00  }
0x12b: {  	[spmem:s3] =	stream.indirect.scatter.add.bf16 [tilespmem:s16], [sflag:$0x8], $0x40, s15, s25, $0xb8;
	[tilespmem:$0x1E660] =	vst v63  }
0x12c: {  	s8 =	simm.s32 $0x700;
	s2 =	sadd.s32 s0, s10  }
0x12d: {  	[tilespmem:s8], [sflag:$0x12] =	stream.linear.gather [hbm4b:s2+s4], $0x100, $0x38;
	[tilespmem:$0x1E660] =	vst v63  }
0x12e: {  	_ =	swait.ge [sflag:s22], $0x4000  }
0x12f: {  	[sflag:s22] =	ssyncset.done $0x0  }
0x130: {  	[sflag:s22] =	ssyncadd.s32 $0xFFFFC000  }
0x131: {  	_ =	swait.ge [sflag:s23], $0x100  }
0x132: {  	s14 =	simm.s32 $0x300;
	[sflag:s23] =	ssyncset.done $0x0  }
0x133: {  	s17 =	simm.s32 $0xCA00;
	s12 =	rddreg [dreg:$0x6];
	[sflag:s23] =	ssyncadd.s32 $0xFFFFFF00  }
0x134: {  	[spmem:s3] =	stream.indirect.scatter.add.bf16 [tilespmem:s17], [sflag:$0x9], $0x40, s14, s25, $0xb8;
	[tilespmem:$0x1E660] =	vst v63  }
0x135: {  	s10 =	simm.s32 $0x800;
	s2 =	sadd.s32 s0, s12  }
0x136: {  	[tilespmem:s10], [sflag:$0x13] =	stream.linear.gather [hbm4b:s2+s4], $0x100, $0x38;
	[tilespmem:$0x1E660] =	vst v63  }
0x137: {  	_ =	swait.ge [sflag:s7], $0x4000  }
0x138: {  	[sflag:s7] =	ssyncset.done $0x0  }
0x139: {  	[sflag:s7] =	ssyncadd.s32 $0xFFFFC000  }
0x13a: {  	_ =	swait.ge [sflag:s24], $0x100  }
0x13b: {  	s18 =	simm.s32 $0x10A00;
	[sflag:s24] =	ssyncset.done $0x0  }
0x13c: {  	s12 =	simm.s32 $0x400;
	s13 =	rddreg [dreg:$0x4];
	[sflag:s24] =	ssyncadd.s32 $0xFFFFFF00  }
0x13d: {  	[spmem:s3] =	stream.indirect.scatter.add.bf16 [tilespmem:s18], [sflag:$0xA], $0x40, s12, s25, $0xb8;
	[tilespmem:$0x1E660] =	vst v63  }
0x13e: {  	s2 =	sadd.s32 s0, s13;
	s13 =	simm.s32 $0x900  }
0x13f: {  	[tilespmem:s13], [sflag:$0x14] =	stream.linear.gather [hbm4b:s2+s4], $0x100, $0x38;
	[tilespmem:$0x1E660] =	vst v63  }
0x140: {  	_ =	swait.ge [sflag:s26], $0x4000  }
0x141: {  	s6 =	rddreg [dreg:$0x5]  }
0x142: {  	[sflag:s26] =	ssyncset.done $0x0;
	s0 =	sadd.s32 s0, s6  }
0x143: {  	[sflag:s26] =	ssyncadd.s32 $0xFFFFC000;
	s6 =	simm.s32 $0x10;
	s2 =	sadd.s32 $0xA0, s0  }
0x144: {  	[tilespmem:s4], [sflag:$0xB] =	stream.linear.gather [hbm4b:s2+s4], $0x100, $0x38;
	[tilespmem:$0x1E660] =	vst v63  }
0x145: {  	_ =	swait.ge [sflag:s6], $0x100  }
0x146: {  	[sflag:s6] =	ssyncset.done $0x0  }
0x147: {  	[sflag:s6] =	ssyncadd.s32 $0xFFFFFF00;
	s6 =	simm.s32 $0xA00  }
0x148: {  	[tilespmem:s6], [sflag:$0x1] =	stream.indirect.gather [hbm4b:s1+s25], $0x40, s11, s25, $0xb8;
	[tilespmem:$0x1E660] =	vst v63  }
0x149: {  	_ =	swait.ge [sflag:s28], $0x4000  }
0x14a: {  	[sflag:s28] =	ssyncset.done $0x0  }
0x14b: {  	s11 =	sadd.s32 $0xC0, s0;
	[sflag:s28] =	ssyncadd.s32 $0xFFFFC000  }
0x14c: {  	[tilespmem:s25], [sflag:$0xC] =	stream.linear.gather [hbm4b:s11+s4], $0x100, $0x38;
	[tilespmem:$0x1E660] =	vst v63  }
0x14d: {  	s11 =	simm.s32 $0x11  }
0x14e: {  	_ =	swait.ge [sflag:s11], $0x100  }
0x14f: {  	[sflag:s11] =	ssyncset.done $0x0  }
0x150: {  	[sflag:s11] =	ssyncadd.s32 $0xFFFFFF00;
	s11 =	simm.s32 $0x4A00  }
0x151: {  	[tilespmem:s11], [sflag:$0x2] =	stream.indirect.gather [hbm4b:s1+s25], $0x40, s9, s25, $0xb8;
	[tilespmem:$0x1E660] =	vst v63  }
0x152: {  	_ =	swait.ge [sflag:s29], $0x4000  }
0x153: {  	[sflag:s29] =	ssyncset.done $0x0  }
0x154: {  	s11 =	sadd.s32 $0xE0, s0;
	[sflag:s29] =	ssyncadd.s32 $0xFFFFC000  }
0x155: {  	[tilespmem:s15], [sflag:$0xD] =	stream.linear.gather [hbm4b:s11+s4], $0x100, $0x38;
	[tilespmem:$0x1E660] =	vst v63  }
0x156: {  	s11 =	simm.s32 $0x12  }
0x157: {  	_ =	swait.ge [sflag:s11], $0x100  }
0x158: {  	[sflag:s11] =	ssyncset.done $0x0  }
0x159: {  	[sflag:s11] =	ssyncadd.s32 $0xFFFFFF00  }
0x15a: {  	[tilespmem:s16], [sflag:$0x3] =	stream.indirect.gather [hbm4b:s1+s25], $0x40, s8, s25, $0xb8;
	[tilespmem:$0x1E660] =	vst v63  }
0x15b: {  	_ =	swait.ge [sflag:s30], $0x4000  }
0x15c: {  	[sflag:s30] =	ssyncset.done $0x0  }
0x15d: {  	s11 =	sadd.s32 $0x100, s0;
	s8 =	simm.s32 $0x13;
	[sflag:s30] =	ssyncadd.s32 $0xFFFFC000  }
0x15e: {  	[tilespmem:s14], [sflag:$0xE] =	stream.linear.gather [hbm4b:s11+s4], $0x100, $0x38;
	[tilespmem:$0x1E660] =	vst v63  }
0x15f: {  	_ =	swait.ge [sflag:s8], $0x100  }
0x160: {  	[sflag:s8] =	ssyncset.done $0x0  }
0x161: {  	[sflag:s8] =	ssyncadd.s32 $0xFFFFFF00  }
0x162: {  	[tilespmem:s17], [sflag:$0x4] =	stream.indirect.gather [hbm4b:s1+s25], $0x40, s10, s25, $0xb8;
	[tilespmem:$0x1E660] =	vst v63  }
0x163: {  	_ =	swait.ge [sflag:s31], $0x4000  }
0x164: {  	[sflag:s31] =	ssyncset.done $0x0  }
0x165: {  	s0 =	sadd.s32 $0x120, s0;
	s10 =	simm.s32 $0x14;
	[sflag:s31] =	ssyncadd.s32 $0xFFFFC000  }
0x166: {  	[tilespmem:s12], [sflag:$0xF] =	stream.linear.gather [hbm4b:s0+s4], $0x100, $0x38;
	[tilespmem:$0x1E660] =	vst v63  }
0x167: {  	_ =	swait.ge [sflag:s10], $0x100  }
0x168: {  	[sflag:s10] =	ssyncset.done $0x0  }
0x169: {  	s11 =	simm.s32 $0x1;
	[sflag:s10] =	ssyncadd.s32 $0xFFFFFF00  }
0x16a: {  	[tilespmem:s18], [sflag:$0x5] =	stream.indirect.gather [hbm4b:s1+s25], $0x40, s13, s25, $0xb8;
	[tilespmem:$0x1E660] =	vst v63  }
0x16b: {  	_ =	swait.ge [sflag:s11], $0x4000  }
0x16c: {  	[sflag:s11] =	ssyncset.done $0x0  }
0x16d: {  	s13 =	simm.s32 $0xB;
	[sflag:s11] =	ssyncadd.s32 $0xFFFFC000  }
0x16e: {  	_ =	swait.ge [sflag:s13], $0x100  }
0x16f: {  	[sflag:s13] =	ssyncset.done $0x0  }
0x170: {  	[sflag:s13] =	ssyncadd.s32 $0xFFFFFF00  }
0x171: {  	[spmem:s3] =	stream.indirect.scatter.add.bf16 [tilespmem:s6], [sflag:$0x6], $0x40, s4, s25, $0xb8;
	[tilespmem:$0x1E660] =	vst v63  }
0x172: {  	_ =	swait.ge [sflag:s19], $0x4000  }
0x173: {  	[sflag:s19] =	ssyncset.done $0x0  }
0x174: {  	[sflag:s19] =	ssyncadd.s32 $0xFFFFC000  }
0x175: {  	_ =	swait.ge [sflag:s20], $0x100  }
0x176: {  	[sflag:s20] =	ssyncset.done $0x0  }
0x177: {  	s9 =	simm.s32 $0x4A00;
	[sflag:s20] =	ssyncadd.s32 $0xFFFFFF00  }
0x178: {  	[spmem:s3] =	stream.indirect.scatter.add.bf16 [tilespmem:s9], [sflag:$0x7], $0x40, s25, s25, $0xb8;
	[tilespmem:$0x1E660] =	vst v63  }
0x179: {  	_ =	swait.ge [sflag:s5], $0x4000  }
0x17a: {  	[sflag:s5] =	ssyncset.done $0x0  }
0x17b: {  	[sflag:s5] =	ssyncadd.s32 $0xFFFFC000  }
0x17c: {  	_ =	swait.ge [sflag:s21], $0x100  }
0x17d: {  	[sflag:s21] =	ssyncset.done $0x0  }
0x17e: {  	[sflag:s21] =	ssyncadd.s32 $0xFFFFFF00  }
0x17f: {  	[spmem:s3] =	stream.indirect.scatter.add.bf16 [tilespmem:s16], [sflag:$0x8], $0x40, s15, s25, $0xb8;
	[tilespmem:$0x1E660] =	vst v63  }
0x180: {  	_ =	swait.ge [sflag:s22], $0x4000  }
0x181: {  	[sflag:s22] =	ssyncset.done $0x0  }
0x182: {  	[sflag:s22] =	ssyncadd.s32 $0xFFFFC000  }
0x183: {  	_ =	swait.ge [sflag:s23], $0x100  }
0x184: {  	[sflag:s23] =	ssyncset.done $0x0  }
0x185: {  	[sflag:s23] =	ssyncadd.s32 $0xFFFFFF00  }
0x186: {  	[spmem:s3] =	stream.indirect.scatter.add.bf16 [tilespmem:s17], [sflag:$0x9], $0x40, s14, s25, $0xb8;
	[tilespmem:$0x1E660] =	vst v63  }
0x187: {  	_ =	swait.ge [sflag:s7], $0x4000  }
0x188: {  	[sflag:s7] =	ssyncset.done $0x0  }
0x189: {  	[sflag:s7] =	ssyncadd.s32 $0xFFFFC000  }
0x18a: {  	_ =	swait.ge [sflag:s24], $0x100  }
0x18b: {  	[sflag:s24] =	ssyncset.done $0x0  }
0x18c: {  	[sflag:s24] =	ssyncadd.s32 $0xFFFFFF00  }
0x18d: {  	[spmem:s3] =	stream.indirect.scatter.add.bf16 [tilespmem:s18], [sflag:$0xA], $0x40, s12, s25, $0xb8;
	[tilespmem:$0x1E660] =	vst v63  }
0x18e: {  	_ =	swait.ge [sflag:s26], $0x4000  }
0x18f: {  	[sflag:s26] =	ssyncset.done $0x0  }
0x190: {  	[sflag:s26] =	ssyncadd.s32 $0xFFFFC000  }
0x191: {  	_ =	swait.ge [sflag:s28], $0x4000  }
0x192: {  	[sflag:s28] =	ssyncset.done $0x0  }
0x193: {  	[sflag:s28] =	ssyncadd.s32 $0xFFFFC000  }
0x194: {  	_ =	swait.ge [sflag:s29], $0x4000  }
0x195: {  	[sflag:s29] =	ssyncset.done $0x0  }
0x196: {  	[sflag:s29] =	ssyncadd.s32 $0xFFFFC000  }
0x197: {  	_ =	swait.ge [sflag:s30], $0x4000  }
0x198: {  	[sflag:s30] =	ssyncset.done $0x0  }
0x199: {  	[sflag:s30] =	ssyncadd.s32 $0xFFFFC000  }
0x19a: {  	_ =	swait.ge [sflag:s31], $0x4000  }
0x19b: {  	[sflag:s31] =	ssyncset.done $0x0  }
0x19c: {  	[sflag:s31] =	ssyncadd.s32 $0xFFFFC000  }
0x19d: {  	[bflag:$0x0] =	sbarrier.arrive $0xFFFF  }
0x19e: {  	s2 =	rddreg [dreg:$0xc]  }
0x19f: {  	s17 =	rddreg [dreg:$0x13]  }
0x1a0: {  	s9 =	simm.s32 $0x15;
	s18 =	rddreg [dreg:$0x1d]  }
0x1a1: {  	[hbm:s17], [sflag:s2] =	dma.local [spmem:s18], $0x1380  }
0x1a2: {  	_ =	swait.ge [sflag:s9], $0x1380  }
0x1a3: {  	[sflag:s9] =	ssyncset.done $0x0;
	s0 =	rddreg [dreg:$0x14]  }
0x1a4: {  	s5 =	rddreg [dreg:$0x1e];
	[sflag:s9] =	ssyncadd.s32 $0xFFFFEC80  }
0x1a5: {  	[hbm:s0], [sflag:s2] =	dma.local @!p0 [spmem:s5], $0x80  }
0x1a6: {  	s0 =	simm.s32 @!p0 $0x15  }
0x1a7: {  	_ =	swait.ge @!p0 [sflag:s0], $0x80  }
0x1a8: {  	s19 =	rddreg [dreg:$0x1c]  }
0x1a9: {  	s20 =	rddreg [dreg:$0x1b];
	s5 =	sadd.s32 $0x1, s19  }
0x1aa: {  	p1 =	sne.s32 s5, s20  }
.Ltmp1:
0x1ab: {  	_ = 	snop;
	(pc) =	sbr.rel @p1 .LBB2_1-.Ltmp1, $3  }
0x1ac: {  	_ =	sdelay $0x1  }
0x1ad: {  	[sflag:s0] =	ssyncset.done @!p0 $0x0  }
0x1ae: {  	[sflag:s0] =	ssyncadd.s32 @!p0 $0xFFFFFF80  }
0x1af: {  	_ =	sfence.sel $0x180000  }
0x1b0: {  	[bflag:$0x0] =	sbarrier.arrive $0xFFFF  }
0x1b1: {  	_ =	strace $0x9000004A  }
0x1b2: {  	s0 =	stileid.u32;
	[bflag:$0x2] =	sbarrier.arrive $0xFFFF  }
0x1b3: {  	p0 =	sne.s32 s0, $0x0;
	s0 =	rddreg [dreg:$0x3]  }
0x1b4: {  	s0 =	sadd.s32 @!p0 $0x100000, s0  }
0x1b5: {  	[sflag:s0] =	ssyncadd.tile.s32 @!p0 $0x1;
	_ =	shalt  }
.Lfunc_end2:
_tile_overlayer_lowered:
.L_overlay_start_2:
0x1b6: {  	(tag) =	ssettag $0x2  }
0x1b7: {  	s0 =	rddreg [dreg:$0x0];
	s2 =	stileid.u32  }
0x1b8: {  	s1 =	rddreg [dreg:$0x1];
	p0 =	sne.s32 s2, $0x0  }
0x1b9: {  	s3 =	rddreg [dreg:$0x2];
	[bflag:$0x3] =	sbarrier.arrive $0xFFFF;
	s2 =	simm.s32 @!p0 $0x1C15  }
0x1ba: {  	[timem:s3], [sflag:s2] =	dma.local @!p0 [hbm:s0], s1  }
0x1bb: {  	s0 =	simm.s32 @!p0 $0x15  }
0x1bc: {  	_ =	swait.ge @!p0 [sflag:s0], s1  }
0x1bd: {  	s1 =	ssub.s32 @!p0 $0x0, s1;
	[sflag:s0] =	ssyncset.done @!p0 $0x0  }
0x1be: {  	[sflag:s0] =	ssyncadd.s32 @!p0 s1  }
0x1bf: {  	[bflag:$0x3] =	sbarrier.arrive $0xFFFF  }
0x1c0: {  	_ =	shalt  }

</sc_bundles>
